<compile_context>
chip_gen: v7x
topology: tpu7x:2x2x1
jax: 0.10.2.dev20260603
libtpu: 0.0.44.dev20260713+nightly
codegen_flags: <defaults>
</compile_context>

<pallas_src>
import functools

import jax
import jax.numpy as jnp
from jax import lax
from jax.experimental import pallas as pl
from jax.experimental.pallas import tpu as pltpu
from jax.experimental.pallas import tpu_sc as plsc

_B, _T, _DIM = 32, 576, 256
_NSYM, _NCON = 1024, 512
_D = _DIM * 2
_N = _B * _T
_R = 256
_RL = _R // 128
_NL = _N // 128
_RO = 512
_SCALE = 1.25 / (_N * _D)

_DN_T = (((1,), (1,)), ((), ()))


def _stage2_tables_body(sym_ref, con_ref, cn_ref, pkt_ref, d2m_ref):
    sym = sym_ref[...]
    sc = lax.dot_general(sym, con_ref[...], _DN_T,
                         preferred_element_type=jnp.float32)
    sn = jnp.sum(sym * sym, axis=1, keepdims=True)
    d2 = (sn + cn_ref[...]) - 2.0 * sc
    m = jnp.min(d2, axis=1, keepdims=True)
    it = lax.broadcasted_iota(jnp.int32, (_NSYM, _NCON), 1)
    cit = jnp.min(jnp.where(d2 == m, it, _NCON), axis=1, keepdims=True)
    row = lax.broadcasted_iota(jnp.int32, (_NSYM, 1), 0)
    pkt_ref[...] = row * 1024 + cit
    d2m_ref[...] = m


def _stage1_body(zr_ref, zi_ref, sym_ref, bn_ref, pkt_ref, d2m_ref,
                 si_ref, ci_ref, sd_ref, cf_ref, dg_ref):
    z = jnp.concatenate([zr_ref[...], zi_ref[...]], axis=1)
    zb = lax.dot_general(z, sym_ref[...], _DN_T,
                         preferred_element_type=jnp.float32)
    rn = jnp.sum(z * z, axis=1, keepdims=True)
    d = (rn + bn_ref[...]) - 2.0 * zb
    mn = jnp.min(d, axis=1, keepdims=True)
    pk = jnp.min(jnp.where(d == mn, pkt_ref[...], _NSYM * 1024),
                 axis=1, keepdims=True)
    dg = jnp.min(jnp.where(d == mn, d2m_ref[...], jnp.inf),
                 axis=1, keepdims=True)
    si_ref[...] = jnp.reshape(lax.shift_right_logical(pk, 10), (1, _RL, 128))
    ci_ref[...] = jnp.reshape(lax.bitwise_and(pk, 1023), (1, _RL, 128))
    sd_ref[...] = jnp.reshape(mn, (1, _RL, 128))
    cf_ref[...] = jnp.reshape(1.0 / (1.0 + mn), (1, _RL, 128))
    dg_ref[...] = jnp.reshape(dg, (1, _RL, 128))


def _onehot_body(si_ref, ci_ref, ohs_ref, ohc_ref):
    it = lax.broadcasted_iota(jnp.int32, (_RO, _NSYM), 1)
    ohs_ref[...] = (it == si_ref[...]).astype(jnp.float32)
    it2 = lax.broadcasted_iota(jnp.int32, (_RO, _NCON), 1)
    ohc_ref[...] = (it2 == ci_ref[...]).astype(jnp.float32)


_stage2_tables = pl.pallas_call(
    _stage2_tables_body,
    out_shape=[
        jax.ShapeDtypeStruct((_NSYM, 1), jnp.int32),
        jax.ShapeDtypeStruct((_NSYM, 1), jnp.float32),
    ],
)

_stage1 = pl.pallas_call(
    _stage1_body,
    grid=(_N // _R,),
    in_specs=[
        pl.BlockSpec((_R, _DIM), lambda i: (i, 0)),
        pl.BlockSpec((_R, _DIM), lambda i: (i, 0)),
        pl.BlockSpec((_NSYM, _D), lambda i: (0, 0)),
        pl.BlockSpec((1, _NSYM), lambda i: (0, 0)),
        pl.BlockSpec((1, _NSYM), lambda i: (0, 0)),
        pl.BlockSpec((1, _NSYM), lambda i: (0, 0)),
    ],
    out_specs=[
        pl.BlockSpec((1, _RL, 128), lambda i: (i, 0, 0)),
        pl.BlockSpec((1, _RL, 128), lambda i: (i, 0, 0)),
        pl.BlockSpec((1, _RL, 128), lambda i: (i, 0, 0)),
        pl.BlockSpec((1, _RL, 128), lambda i: (i, 0, 0)),
        pl.BlockSpec((1, _RL, 128), lambda i: (i, 0, 0)),
    ],
    out_shape=[
        jax.ShapeDtypeStruct((_N // _R, _RL, 128), jnp.int32),
        jax.ShapeDtypeStruct((_N // _R, _RL, 128), jnp.int32),
        jax.ShapeDtypeStruct((_N // _R, _RL, 128), jnp.float32),
        jax.ShapeDtypeStruct((_N // _R, _RL, 128), jnp.float32),
        jax.ShapeDtypeStruct((_N // _R, _RL, 128), jnp.float32),
    ],
    compiler_params=pltpu.CompilerParams(
        dimension_semantics=("parallel",)),
)

_onehots = pl.pallas_call(
    _onehot_body,
    grid=(_N // _RO,),
    in_specs=[
        pl.BlockSpec((_RO, 1), lambda i: (i, 0)),
        pl.BlockSpec((_RO, 1), lambda i: (i, 0)),
    ],
    out_specs=[
        pl.BlockSpec((_RO, _NSYM), lambda i: (i, 0)),
        pl.BlockSpec((_RO, _NCON), lambda i: (i, 0)),
    ],
    out_shape=[
        jax.ShapeDtypeStruct((_N, _NSYM), jnp.float32),
        jax.ShapeDtypeStruct((_N, _NCON), jnp.float32),
    ],
    compiler_params=pltpu.CompilerParams(
        dimension_semantics=("parallel",)),
)

_NW = 32
_BPW = _N // _NW
_CH = 72
_NBUF = 3


def _sc_gather_body(table_hbm, idx_hbm, zre_hbm, zim_hbm, idx_v, b0, b1, b2,
                    gs0, gs1, gs2, ss0, ss1, ss2):
    bufs = (b0, b1, b2)
    gsems = (gs0, gs1, gs2)
    ssems = (ss0, ss1, ss2)
    wid = lax.axis_index("s") * 2 + lax.axis_index("c")
    base = wid * _BPW
    pltpu.sync_copy(idx_hbm.at[pl.ds(base, _BPW)], idx_v)
    nch = _BPW // _CH
    gcp, scp = {}, {}

    def start_gather(c):
        s = c % _NBUF
        gcp[c] = pltpu.async_copy(
            table_hbm.at[idx_v.at[pl.ds(c * _CH, _CH)]], bufs[s], gsems[s])

    for c in range(min(2, nch)):
        start_gather(c)
    for c in range(nch):
        s = c % _NBUF
        gcp[c].wait()
        dst = pl.ds(base + c * _CH, _CH)
        scp[c] = (
            pltpu.async_copy(bufs[s].at[:, pl.ds(0, _DIM)],
                             zre_hbm.at[dst], ssems[s]),
            pltpu.async_copy(bufs[s].at[:, pl.ds(_DIM, _DIM)],
                             zim_hbm.at[dst], ssems[s]),
        )
        if c + 2 < nch:
            if c >= 1:
                scp[c - 1][0].wait()
                scp[c - 1][1].wait()
            start_gather(c + 2)
    for c in range(max(0, nch - 3), nch):
        scp[c][0].wait()
        scp[c][1].wait()


@functools.cache
def _sc_gather():
    return pl.kernel(
        _sc_gather_body,
        out_type=(
            jax.ShapeDtypeStruct((_N, _DIM), jnp.float32),
            jax.ShapeDtypeStruct((_N, _DIM), jnp.float32),
        ),
        mesh=plsc.VectorSubcoreMesh(core_axis_name="c", subcore_axis_name="s"),
        scratch_types=(
            [pltpu.VMEM((_BPW,), jnp.int32)]
            + [pltpu.VMEM((_CH, _D), jnp.float32)] * _NBUF
            + [pltpu.SemaphoreType.DMA] * (2 * _NBUF)
        ),
    )


def kernel(z_real, z_imag, sym, con):
    zr = z_real.reshape(_N, _DIM)
    zi = z_imag.reshape(_N, _DIM)
    bn = jnp.sum(sym**2, axis=-1).reshape(1, _NSYM)
    cn = jnp.sum(con**2, axis=-1).reshape(1, _NCON)
    pkt, d2m = _stage2_tables(sym, con, cn)
    si2, ci2, sd2, cf2, dg = _stage1(
        zr, zi, sym, bn, pkt.reshape(1, _NSYM), d2m.reshape(1, _NSYM))
    zre, zim = _sc_gather()(sym, si2.reshape(_N))
    ohs, ohc = _onehots(si2.reshape(_N, 1), ci2.reshape(_N, 1))
    out_c = lax.complex(zre, zim).reshape(_B, _T, _DIM)
    ls = _SCALE * jnp.sum(sd2)
    lc = _SCALE * jnp.sum(dg)
    return (out_c,
            ohs.reshape(_B, _T, _NSYM),
            ohc.reshape(_B, _T, _NCON),
            ls, lc,
            si2.reshape(_B, _T),
            ci2.reshape(_B, _T),
            cf2.reshape(_B, _T))

# --- scband reference (transcript-rebuilt; emitter-appended) ---
"""Pipeline reference for scband-dynamic-hierarchical-vq-79886391705967 (READ-ONLY COPY).

The authoritative reference and input builder live on the scoring server;
editing this copy changes nothing except your own understanding.
"""

import jax, jax.numpy as jnp
import numpy as np

B, T, DIM = 32, 576, 256
N_SYM, N_CON = 1024, 512
COMMIT = 0.25

def setup_inputs(seed: int = 0) -> dict:
    key = jax.random.key(seed)
    k1, k2, k3, k4 = jax.random.split(key, 4)
    z_real = jax.random.normal(k1, (B, T, DIM), dtype=jnp.float32)
    z_imag = jax.random.normal(k2, (B, T, DIM), dtype=jnp.float32)
    sym = jax.random.normal(k3, (N_SYM, DIM * 2), dtype=jnp.float32)
    con = jax.random.normal(k4, (N_CON, DIM * 2), dtype=jnp.float32)
    return {"z_real": z_real, "z_imag": z_imag, "sym": sym, "con": con}

def _quantize(z, book):
    d = jnp.sum(z ** 2, axis=-1, keepdims=True) + jnp.sum(book ** 2, axis=-1) - 2.0 * (z @ book.T)
    idx = jnp.argmin(d, axis=-1)
    dist = jnp.min(d, axis=-1)
    zq = jnp.take(book, idx, axis=0)
    loss = jnp.mean((zq - jax.lax.stop_gradient(z)) ** 2) + COMMIT * jnp.mean((jax.lax.stop_gradient(zq) - z) ** 2)
    zq = z + jax.lax.stop_gradient(zq - z)
    return zq, loss, idx, dist

def reference(z_real, z_imag, sym, con):
    zf = jnp.concatenate([z_real, z_imag], axis=-1)
    zs, ls, si, sd = _quantize(zf, sym)
    zc, lc, ci, _ = _quantize(zs, con)
    d = zs.shape[-1] // 2
    out_c = jax.lax.complex(zs[..., :d], zs[..., d:])
    oh_s = jax.nn.one_hot(si, N_SYM, dtype=jnp.float32)
    oh_c = jax.nn.one_hot(ci, N_CON, dtype=jnp.float32)
    return (out_c, oh_s, oh_c, ls, lc, si, ci, 1.0 / (1.0 + sd))

if __name__ == "__main__":
    import jax
    _d = setup_inputs()
    print(jax.jit(kernel)(*tuple(_d.values())))

</pallas_src>

<mosaic_0001>
#map = affine_map<(d0, d1) -> (0, 0)>
#map1 = affine_map<(d0, d1) -> (0)>
module attributes {stable_mosaic.version = 14 : i64} {
  func.func @_sc_gather_body(%arg0: i32, %arg1: i32, %arg2: memref<1024x512xf32, #tpu.memory_space<hbm>>, %arg3: memref<18432xi32, #tpu.memory_space<hbm>>, %arg4: memref<18432x256xf32, #tpu.memory_space<hbm>>, %arg5: memref<18432x256xf32, #tpu.memory_space<hbm>>, %arg6: memref<576xi32, #tpu.memory_space<vmem>>, %arg7: memref<72x512xf32, #tpu.memory_space<vmem>>, %arg8: memref<72x512xf32, #tpu.memory_space<vmem>>, %arg9: memref<72x512xf32, #tpu.memory_space<vmem>>, %arg10: memref<!tpu.dma_semaphore, #tpu.memory_space<semaphore_mem>>, %arg11: memref<!tpu.dma_semaphore, #tpu.memory_space<semaphore_mem>>, %arg12: memref<!tpu.dma_semaphore, #tpu.memory_space<semaphore_mem>>, %arg13: memref<!tpu.dma_semaphore, #tpu.memory_space<semaphore_mem>>, %arg14: memref<!tpu.dma_semaphore, #tpu.memory_space<semaphore_mem>>, %arg15: memref<!tpu.dma_semaphore, #tpu.memory_space<semaphore_mem>>) attributes {dimension_semantics = [#tpu.dimension_semantics<core_parallel>, #tpu.dimension_semantics<subcore_parallel>], iteration_bounds = array<i64: 2, 16>, scalar_prefetch = 0 : i64, scratch_operands = 10 : i64, tpu.core_type = #tpu.core_type<sc_vector_subcore>, window_params = [{transform_indices = #map}, {transform_indices = #map1}, {transform_indices = #map}, {transform_indices = #map}]} {
    %mul3A = arith.constant 2 : i32
    %mul3A_0 = arith.muli %arg1, %mul3A : i32
    %add3A = arith.addi %mul3A_0, %arg0 : i32
    %mul3A_1 = arith.constant 576 : i32
    %mul3A_2 = arith.muli %add3A, %mul3A_1 : i32
    "tpu.region"() ({
      %run_scoped3A = tpu.sem_alloc : memref<!tpu.dma_semaphore, #tpu.memory_space<semaphore_mem>>
      %dma_start3A_417 = tpu.memref_slice %arg3[%mul3A_2] : memref<18432xi32, #tpu.memory_space<hbm>> -> memref<576xi32, #tpu.memory_space<hbm>>
      %dma_start3A_418 = tpu.memref_slice %arg3[%mul3A_2] : memref<18432xi32, #tpu.memory_space<hbm>> -> memref<576xi32, #tpu.memory_space<hbm>>
      tpu.enqueue_dma source(%dma_start3A_418 : memref<576xi32, #tpu.memory_space<hbm>>) target(%arg6 : memref<576xi32, #tpu.memory_space<vmem>>) target_semaphore(%run_scoped3A : memref<!tpu.dma_semaphore, #tpu.memory_space<semaphore_mem>>)
      %dma_wait3A_419 = tpu.memref_slice %arg3[%mul3A_2] : memref<18432xi32, #tpu.memory_space<hbm>> -> memref<576xi32, #tpu.memory_space<hbm>>
      %dma_wait3A_420 = tpu.memref_slice %arg3[%mul3A_2] : memref<18432xi32, #tpu.memory_space<hbm>> -> memref<576xi32, #tpu.memory_space<hbm>>
      tpu.wait_dma2 semaphore(%run_scoped3A : memref<!tpu.dma_semaphore, #tpu.memory_space<semaphore_mem>>) src(%dma_wait3A_420 : memref<576xi32, #tpu.memory_space<hbm>>) dst(%arg6 : memref<576xi32, #tpu.memory_space<vmem>>)
      tpu.yield
    }) : () -> ()
    %dma_start3A = arith.constant 0 : i32
    %dma_start3A_3 = tpu.memref_slice %arg6[%dma_start3A] : memref<576xi32, #tpu.memory_space<vmem>> -> memref<72xi32, #tpu.memory_space<vmem>>
    %dma_start3A_4 = arith.constant 0 : i32
    %dma_start3A_5 = arith.constant 0 : i32
    %dma_start3A_6 = tpu.memref_slice %arg2[%dma_start3A_4, %dma_start3A_5] : memref<1024x512xf32, #tpu.memory_space<hbm>> -> memref<1024x512xf32, #tpu.memory_space<hbm>>
    tpu.enqueue_indirect_dma source(%dma_start3A_6 : memref<1024x512xf32, #tpu.memory_space<hbm>>) target(%arg7 : memref<72x512xf32, #tpu.memory_space<vmem>>) offsets(%dma_start3A_3 : memref<72xi32, #tpu.memory_space<vmem>>) semaphore(%arg10 : memref<!tpu.dma_semaphore, #tpu.memory_space<semaphore_mem>>)
    %dma_start3A_7 = arith.constant 72 : i32
    %dma_start3A_8 = tpu.memref_slice %arg6[%dma_start3A_7] : memref<576xi32, #tpu.memory_space<vmem>> -> memref<72xi32, #tpu.memory_space<vmem>>
    %dma_start3A_9 = arith.constant 0 : i32
    %dma_start3A_10 = arith.constant 0 : i32
    %dma_start3A_11 = tpu.memref_slice %arg2[%dma_start3A_9, %dma_start3A_10] : memref<1024x512xf32, #tpu.memory_space<hbm>> -> memref<1024x512xf32, #tpu.memory_space<hbm>>
    tpu.enqueue_indirect_dma source(%dma_start3A_11 : memref<1024x512xf32, #tpu.memory_space<hbm>>) target(%arg8 : memref<72x512xf32, #tpu.memory_space<vmem>>) offsets(%dma_start3A_8 : memref<72xi32, #tpu.memory_space<vmem>>) semaphore(%arg11 : memref<!tpu.dma_semaphore, #tpu.memory_space<semaphore_mem>>)
    %dma_wait3A = arith.constant 0 : i32
    %dma_wait3A_12 = tpu.memref_slice %arg6[%dma_wait3A] : memref<576xi32, #tpu.memory_space<vmem>> -> memref<72xi32, #tpu.memory_space<vmem>>
    %dma_wait3A_13 = arith.constant 0 : i32
    %dma_wait3A_14 = arith.constant 0 : i32
    %dma_wait3A_15 = tpu.memref_slice %arg2[%dma_wait3A_13, %dma_wait3A_14] : memref<1024x512xf32, #tpu.memory_space<hbm>> -> memref<1024x512xf32, #tpu.memory_space<hbm>>
    tpu.wait_indirect_dma semaphore(%arg10 : memref<!tpu.dma_semaphore, #tpu.memory_space<semaphore_mem>>) src(%dma_wait3A_15 : memref<1024x512xf32, #tpu.memory_space<hbm>>) dst(%arg7 : memref<72x512xf32, #tpu.memory_space<vmem>>)
    %add3A_16 = arith.constant 0 : i32
    %add3A_17 = arith.addi %mul3A_2, %add3A_16 : i32
    %dma_start3A_18 = arith.constant 0 : i32
    %dma_start3A_19 = arith.constant 0 : i32
    %dma_start3A_20 = tpu.memref_slice %arg7[%dma_start3A_18, %dma_start3A_19] : memref<72x512xf32, #tpu.memory_space<vmem>> -> memref<72x256xf32, #tpu.memory_space<vmem>>
    %dma_start3A_21 = arith.constant 0 : i32
    %dma_start3A_22 = tpu.memref_slice %arg4[%add3A_17, %dma_start3A_21] : memref<18432x256xf32, #tpu.memory_space<hbm>> -> memref<72x256xf32, #tpu.memory_space<hbm>>
    %dma_start3A_23 = arith.constant 0 : i32
    %dma_start3A_24 = tpu.memref_slice %arg4[%add3A_17, %dma_start3A_23] : memref<18432x256xf32, #tpu.memory_space<hbm>> -> memref<72x256xf32, #tpu.memory_space<hbm>>
    %dma_start3A_25 = arith.constant 0 : i32
    %dma_start3A_26 = arith.constant 0 : i32
    %dma_start3A_27 = tpu.memref_slice %arg7[%dma_start3A_25, %dma_start3A_26] : memref<72x512xf32, #tpu.memory_space<vmem>> -> memref<72x256xf32, #tpu.memory_space<vmem>>
    tpu.enqueue_dma source(%dma_start3A_27 : memref<72x256xf32, #tpu.memory_space<vmem>>) target(%dma_start3A_24 : memref<72x256xf32, #tpu.memory_space<hbm>>) target_semaphore(%arg13 : memref<!tpu.dma_semaphore, #tpu.memory_space<semaphore_mem>>)
    %dma_start3A_28 = arith.constant 0 : i32
    %dma_start3A_29 = arith.constant 256 : i32
    %dma_start3A_30 = tpu.memref_slice %arg7[%dma_start3A_28, %dma_start3A_29] : memref<72x512xf32, #tpu.memory_space<vmem>> -> memref<72x256xf32, #tpu.memory_space<vmem>>
    %dma_start3A_31 = arith.constant 0 : i32
    %dma_start3A_32 = tpu.memref_slice %arg5[%add3A_17, %dma_start3A_31] : memref<18432x256xf32, #tpu.memory_space<hbm>> -> memref<72x256xf32, #tpu.memory_space<hbm>>
    %dma_start3A_33 = arith.constant 0 : i32
    %dma_start3A_34 = tpu.memref_slice %arg5[%add3A_17, %dma_start3A_33] : memref<18432x256xf32, #tpu.memory_space<hbm>> -> memref<72x256xf32, #tpu.memory_space<hbm>>
    %dma_start3A_35 = arith.constant 0 : i32
    %dma_start3A_36 = arith.constant 256 : i32
    %dma_start3A_37 = tpu.memref_slice %arg7[%dma_start3A_35, %dma_start3A_36] : memref<72x512xf32, #tpu.memory_space<vmem>> -> memref<72x256xf32, #tpu.memory_space<vmem>>
    tpu.enqueue_dma source(%dma_start3A_37 : memref<72x256xf32, #tpu.memory_space<vmem>>) target(%dma_start3A_34 : memref<72x256xf32, #tpu.memory_space<hbm>>) target_semaphore(%arg13 : memref<!tpu.dma_semaphore, #tpu.memory_space<semaphore_mem>>)
    %dma_start3A_38 = arith.constant 144 : i32
    %dma_start3A_39 = tpu.memref_slice %arg6[%dma_start3A_38] : memref<576xi32, #tpu.memory_space<vmem>> -> memref<72xi32, #tpu.memory_space<vmem>>
    %dma_start3A_40 = arith.constant 0 : i32
    %dma_start3A_41 = arith.constant 0 : i32
    %dma_start3A_42 = tpu.memref_slice %arg2[%dma_start3A_40, %dma_start3A_41] : memref<1024x512xf32, #tpu.memory_space<hbm>> -> memref<1024x512xf32, #tpu.memory_space<hbm>>
    tpu.enqueue_indirect_dma source(%dma_start3A_42 : memref<1024x512xf32, #tpu.memory_space<hbm>>) target(%arg9 : memref<72x512xf32, #tpu.memory_space<vmem>>) offsets(%dma_start3A_39 : memref<72xi32, #tpu.memory_space<vmem>>) semaphore(%arg12 : memref<!tpu.dma_semaphore, #tpu.memory_space<semaphore_mem>>)
    %dma_wait3A_43 = arith.constant 72 : i32
    %dma_wait3A_44 = tpu.memref_slice %arg6[%dma_wait3A_43] : memref<576xi32, #tpu.memory_space<vmem>> -> memref<72xi32, #tpu.memory_space<vmem>>
    %dma_wait3A_45 = arith.constant 0 : i32
    %dma_wait3A_46 = arith.constant 0 : i32
    %dma_wait3A_47 = tpu.memref_slice %arg2[%dma_wait3A_45, %dma_wait3A_46] : memref<1024x512xf32, #tpu.memory_space<hbm>> -> memref<1024x512xf32, #tpu.memory_space<hbm>>
    tpu.wait_indirect_dma semaphore(%arg11 : memref<!tpu.dma_semaphore, #tpu.memory_space<semaphore_mem>>) src(%dma_wait3A_47 : memref<1024x512xf32, #tpu.memory_space<hbm>>) dst(%arg8 : memref<72x512xf32, #tpu.memory_space<vmem>>)
    %add3A_48 = arith.constant 72 : i32
    %add3A_49 = arith.addi %mul3A_2, %add3A_48 : i32
    %dma_start3A_50 = arith.constant 0 : i32
    %dma_start3A_51 = arith.constant 0 : i32
    %dma_start3A_52 = tpu.memref_slice %arg8[%dma_start3A_50, %dma_start3A_51] : memref<72x512xf32, #tpu.memory_space<vmem>> -> memref<72x256xf32, #tpu.memory_space<vmem>>
    %dma_start3A_53 = arith.constant 0 : i32
    %dma_start3A_54 = tpu.memref_slice %arg4[%add3A_49, %dma_start3A_53] : memref<18432x256xf32, #tpu.memory_space<hbm>> -> memref<72x256xf32, #tpu.memory_space<hbm>>
    %dma_start3A_55 = arith.constant 0 : i32
    %dma_start3A_56 = tpu.memref_slice %arg4[%add3A_49, %dma_start3A_55] : memref<18432x256xf32, #tpu.memory_space<hbm>> -> memref<72x256xf32, #tpu.memory_space<hbm>>
    %dma_start3A_57 = arith.constant 0 : i32
    %dma_start3A_58 = arith.constant 0 : i32
    %dma_start3A_59 = tpu.memref_slice %arg8[%dma_start3A_57, %dma_start3A_58] : memref<72x512xf32, #tpu.memory_space<vmem>> -> memref<72x256xf32, #tpu.memory_space<vmem>>
    tpu.enqueue_dma source(%dma_start3A_59 : memref<72x256xf32, #tpu.memory_space<vmem>>) target(%dma_start3A_56 : memref<72x256xf32, #tpu.memory_space<hbm>>) target_semaphore(%arg14 : memref<!tpu.dma_semaphore, #tpu.memory_space<semaphore_mem>>)
    %dma_start3A_60 = arith.constant 0 : i32
    %dma_start3A_61 = arith.constant 256 : i32
    %dma_start3A_62 = tpu.memref_slice %arg8[%dma_start3A_60, %dma_start3A_61] : memref<72x512xf32, #tpu.memory_space<vmem>> -> memref<72x256xf32, #tpu.memory_space<vmem>>
    %dma_start3A_63 = arith.constant 0 : i32
    %dma_start3A_64 = tpu.memref_slice %arg5[%add3A_49, %dma_start3A_63] : memref<18432x256xf32, #tpu.memory_space<hbm>> -> memref<72x256xf32, #tpu.memory_space<hbm>>
    %dma_start3A_65 = arith.constant 0 : i32
    %dma_start3A_66 = tpu.memref_slice %arg5[%add3A_49, %dma_start3A_65] : memref<18432x256xf32, #tpu.memory_space<hbm>> -> memref<72x256xf32, #tpu.memory_space<hbm>>
    %dma_start3A_67 = arith.constant 0 : i32
    %dma_start3A_68 = arith.constant 256 : i32
    %dma_start3A_69 = tpu.memref_slice %arg8[%dma_start3A_67, %dma_start3A_68] : memref<72x512xf32, #tpu.memory_space<vmem>> -> memref<72x256xf32, #tpu.memory_space<vmem>>
    tpu.enqueue_dma source(%dma_start3A_69 : memref<72x256xf32, #tpu.memory_space<vmem>>) target(%dma_start3A_66 : memref<72x256xf32, #tpu.memory_space<hbm>>) target_semaphore(%arg14 : memref<!tpu.dma_semaphore, #tpu.memory_space<semaphore_mem>>)
    %dma_wait3A_70 = arith.constant 0 : i32
    %dma_wait3A_71 = arith.constant 0 : i32
    %dma_wait3A_72 = tpu.memref_slice %arg7[%dma_wait3A_70, %dma_wait3A_71] : memref<72x512xf32, #tpu.memory_space<vmem>> -> memref<72x256xf32, #tpu.memory_space<vmem>>
    %dma_wait3A_73 = arith.constant 0 : i32
    %dma_wait3A_74 = tpu.memref_slice %arg4[%add3A_17, %dma_wait3A_73] : memref<18432x256xf32, #tpu.memory_space<hbm>> -> memref<72x256xf32, #tpu.memory_space<hbm>>
    %dma_wait3A_75 = arith.constant 0 : i32
    %dma_wait3A_76 = tpu.memref_slice %arg4[%add3A_17, %dma_wait3A_75] : memref<18432x256xf32, #tpu.memory_space<hbm>> -> memref<72x256xf32, #tpu.memory_space<hbm>>
    %dma_wait3A_77 = arith.constant 0 : i32
    %dma_wait3A_78 = arith.constant 0 : i32
    %dma_wait3A_79 = tpu.memref_slice %arg7[%dma_wait3A_77, %dma_wait3A_78] : memref<72x512xf32, #tpu.memory_space<vmem>> -> memref<72x256xf32, #tpu.memory_space<vmem>>
    tpu.wait_dma2 semaphore(%arg13 : memref<!tpu.dma_semaphore, #tpu.memory_space<semaphore_mem>>) src(%dma_wait3A_79 : memref<72x256xf32, #tpu.memory_space<vmem>>) dst(%dma_wait3A_76 : memref<72x256xf32, #tpu.memory_space<hbm>>)
    %dma_wait3A_80 = arith.constant 0 : i32
    %dma_wait3A_81 = arith.constant 256 : i32
    %dma_wait3A_82 = tpu.memref_slice %arg7[%dma_wait3A_80, %dma_wait3A_81] : memref<72x512xf32, #tpu.memory_space<vmem>> -> memref<72x256xf32, #tpu.memory_space<vmem>>
    %dma_wait3A_83 = arith.constant 0 : i32
    %dma_wait3A_84 = tpu.memref_slice %arg5[%add3A_17, %dma_wait3A_83] : memref<18432x256xf32, #tpu.memory_space<hbm>> -> memref<72x256xf32, #tpu.memory_space<hbm>>
    %dma_wait3A_85 = arith.constant 0 : i32
    %dma_wait3A_86 = tpu.memref_slice %arg5[%add3A_17, %dma_wait3A_85] : memref<18432x256xf32, #tpu.memory_space<hbm>> -> memref<72x256xf32, #tpu.memory_space<hbm>>
    %dma_wait3A_87 = arith.constant 0 : i32
    %dma_wait3A_88 = arith.constant 256 : i32
    %dma_wait3A_89 = tpu.memref_slice %arg7[%dma_wait3A_87, %dma_wait3A_88] : memref<72x512xf32, #tpu.memory_space<vmem>> -> memref<72x256xf32, #tpu.memory_space<vmem>>
    tpu.wait_dma2 semaphore(%arg13 : memref<!tpu.dma_semaphore, #tpu.memory_space<semaphore_mem>>) src(%dma_wait3A_89 : memref<72x256xf32, #tpu.memory_space<vmem>>) dst(%dma_wait3A_86 : memref<72x256xf32, #tpu.memory_space<hbm>>)
    %dma_start3A_90 = arith.constant 216 : i32
    %dma_start3A_91 = tpu.memref_slice %arg6[%dma_start3A_90] : memref<576xi32, #tpu.memory_space<vmem>> -> memref<72xi32, #tpu.memory_space<vmem>>
    %dma_start3A_92 = arith.constant 0 : i32
    %dma_start3A_93 = arith.constant 0 : i32
    %dma_start3A_94 = tpu.memref_slice %arg2[%dma_start3A_92, %dma_start3A_93] : memref<1024x512xf32, #tpu.memory_space<hbm>> -> memref<1024x512xf32, #tpu.memory_space<hbm>>
    tpu.enqueue_indirect_dma source(%dma_start3A_94 : memref<1024x512xf32, #tpu.memory_space<hbm>>) target(%arg7 : memref<72x512xf32, #tpu.memory_space<vmem>>) offsets(%dma_start3A_91 : memref<72xi32, #tpu.memory_space<vmem>>) semaphore(%arg10 : memref<!tpu.dma_semaphore, #tpu.memory_space<semaphore_mem>>)
    %dma_wait3A_95 = arith.constant 144 : i32
    %dma_wait3A_96 = tpu.memref_slice %arg6[%dma_wait3A_95] : memref<576xi32, #tpu.memory_space<vmem>> -> memref<72xi32, #tpu.memory_space<vmem>>
    %dma_wait3A_97 = arith.constant 0 : i32
    %dma_wait3A_98 = arith.constant 0 : i32
    %dma_wait3A_99 = tpu.memref_slice %arg2[%dma_wait3A_97, %dma_wait3A_98] : memref<1024x512xf32, #tpu.memory_space<hbm>> -> memref<1024x512xf32, #tpu.memory_space<hbm>>
    tpu.wait_indirect_dma semaphore(%arg12 : memref<!tpu.dma_semaphore, #tpu.memory_space<semaphore_mem>>) src(%dma_wait3A_99 : memref<1024x512xf32, #tpu.memory_space<hbm>>) dst(%arg9 : memref<72x512xf32, #tpu.memory_space<vmem>>)
    %add3A_100 = arith.constant 144 : i32
    %add3A_101 = arith.addi %mul3A_2, %add3A_100 : i32
    %dma_start3A_102 = arith.constant 0 : i32
    %dma_start3A_103 = arith.constant 0 : i32
    %dma_start3A_104 = tpu.memref_slice %arg9[%dma_start3A_102, %dma_start3A_103] : memref<72x512xf32, #tpu.memory_space<vmem>> -> memref<72x256xf32, #tpu.memory_space<vmem>>
    %dma_start3A_105 = arith.constant 0 : i32
    %dma_start3A_106 = tpu.memref_slice %arg4[%add3A_101, %dma_start3A_105] : memref<18432x256xf32, #tpu.memory_space<hbm>> -> memref<72x256xf32, #tpu.memory_space<hbm>>
    %dma_start3A_107 = arith.constant 0 : i32
    %dma_start3A_108 = tpu.memref_slice %arg4[%add3A_101, %dma_start3A_107] : memref<18432x256xf32, #tpu.memory_space<hbm>> -> memref<72x256xf32, #tpu.memory_space<hbm>>
    %dma_start3A_109 = arith.constant 0 : i32
    %dma_start3A_110 = arith.constant 0 : i32
    %dma_start3A_111 = tpu.memref_slice %arg9[%dma_start3A_109, %dma_start3A_110] : memref<72x512xf32, #tpu.memory_space<vmem>> -> memref<72x256xf32, #tpu.memory_space<vmem>>
    tpu.enqueue_dma source(%dma_start3A_111 : memref<72x256xf32, #tpu.memory_space<vmem>>) target(%dma_start3A_108 : memref<72x256xf32, #tpu.memory_space<hbm>>) target_semaphore(%arg15 : memref<!tpu.dma_semaphore, #tpu.memory_space<semaphore_mem>>)
    %dma_start3A_112 = arith.constant 0 : i32
    %dma_start3A_113 = arith.constant 256 : i32
    %dma_start3A_114 = tpu.memref_slice %arg9[%dma_start3A_112, %dma_start3A_113] : memref<72x512xf32, #tpu.memory_space<vmem>> -> memref<72x256xf32, #tpu.memory_space<vmem>>
    %dma_start3A_115 = arith.constant 0 : i32
    %dma_start3A_116 = tpu.memref_slice %arg5[%add3A_101, %dma_start3A_115] : memref<18432x256xf32, #tpu.memory_space<hbm>> -> memref<72x256xf32, #tpu.memory_space<hbm>>
    %dma_start3A_117 = arith.constant 0 : i32
    %dma_start3A_118 = tpu.memref_slice %arg5[%add3A_101, %dma_start3A_117] : memref<18432x256xf32, #tpu.memory_space<hbm>> -> memref<72x256xf32, #tpu.memory_space<hbm>>
    %dma_start3A_119 = arith.constant 0 : i32
    %dma_start3A_120 = arith.constant 256 : i32
    %dma_start3A_121 = tpu.memref_slice %arg9[%dma_start3A_119, %dma_start3A_120] : memref<72x512xf32, #tpu.memory_space<vmem>> -> memref<72x256xf32, #tpu.memory_space<vmem>>
    tpu.enqueue_dma source(%dma_start3A_121 : memref<72x256xf32, #tpu.memory_space<vmem>>) target(%dma_start3A_118 : memref<72x256xf32, #tpu.memory_space<hbm>>) target_semaphore(%arg15 : memref<!tpu.dma_semaphore, #tpu.memory_space<semaphore_mem>>)
    %dma_wait3A_122 = arith.constant 0 : i32
    %dma_wait3A_123 = arith.constant 0 : i32
    %dma_wait3A_124 = tpu.memref_slice %arg8[%dma_wait3A_122, %dma_wait3A_123] : memref<72x512xf32, #tpu.memory_space<vmem>> -> memref<72x256xf32, #tpu.memory_space<vmem>>
    %dma_wait3A_125 = arith.constant 0 : i32
    %dma_wait3A_126 = tpu.memref_slice %arg4[%add3A_49, %dma_wait3A_125] : memref<18432x256xf32, #tpu.memory_space<hbm>> -> memref<72x256xf32, #tpu.memory_space<hbm>>
    %dma_wait3A_127 = arith.constant 0 : i32
    %dma_wait3A_128 = tpu.memref_slice %arg4[%add3A_49, %dma_wait3A_127] : memref<18432x256xf32, #tpu.memory_space<hbm>> -> memref<72x256xf32, #tpu.memory_space<hbm>>
    %dma_wait3A_129 = arith.constant 0 : i32
    %dma_wait3A_130 = arith.constant 0 : i32
    %dma_wait3A_131 = tpu.memref_slice %arg8[%dma_wait3A_129, %dma_wait3A_130] : memref<72x512xf32, #tpu.memory_space<vmem>> -> memref<72x256xf32, #tpu.memory_space<vmem>>
    tpu.wait_dma2 semaphore(%arg14 : memref<!tpu.dma_semaphore, #tpu.memory_space<semaphore_mem>>) src(%dma_wait3A_131 : memref<72x256xf32, #tpu.memory_space<vmem>>) dst(%dma_wait3A_128 : memref<72x256xf32, #tpu.memory_space<hbm>>)
    %dma_wait3A_132 = arith.constant 0 : i32
    %dma_wait3A_133 = arith.constant 256 : i32
    %dma_wait3A_134 = tpu.memref_slice %arg8[%dma_wait3A_132, %dma_wait3A_133] : memref<72x512xf32, #tpu.memory_space<vmem>> -> memref<72x256xf32, #tpu.memory_space<vmem>>
    %dma_wait3A_135 = arith.constant 0 : i32
    %dma_wait3A_136 = tpu.memref_slice %arg5[%add3A_49, %dma_wait3A_135] : memref<18432x256xf32, #tpu.memory_space<hbm>> -> memref<72x256xf32, #tpu.memory_space<hbm>>
    %dma_wait3A_137 = arith.constant 0 : i32
    %dma_wait3A_138 = tpu.memref_slice %arg5[%add3A_49, %dma_wait3A_137] : memref<18432x256xf32, #tpu.memory_space<hbm>> -> memref<72x256xf32, #tpu.memory_space<hbm>>
    %dma_wait3A_139 = arith.constant 0 : i32
    %dma_wait3A_140 = arith.constant 256 : i32
    %dma_wait3A_141 = tpu.memref_slice %arg8[%dma_wait3A_139, %dma_wait3A_140] : memref<72x512xf32, #tpu.memory_space<vmem>> -> memref<72x256xf32, #tpu.memory_space<vmem>>
    tpu.wait_dma2 semaphore(%arg14 : memref<!tpu.dma_semaphore, #tpu.memory_space<semaphore_mem>>) src(%dma_wait3A_141 : memref<72x256xf32, #tpu.memory_space<vmem>>) dst(%dma_wait3A_138 : memref<72x256xf32, #tpu.memory_space<hbm>>)
    %dma_start3A_142 = arith.constant 288 : i32
    %dma_start3A_143 = tpu.memref_slice %arg6[%dma_start3A_142] : memref<576xi32, #tpu.memory_space<vmem>> -> memref<72xi32, #tpu.memory_space<vmem>>
    %dma_start3A_144 = arith.constant 0 : i32
    %dma_start3A_145 = arith.constant 0 : i32
    %dma_start3A_146 = tpu.memref_slice %arg2[%dma_start3A_144, %dma_start3A_145] : memref<1024x512xf32, #tpu.memory_space<hbm>> -> memref<1024x512xf32, #tpu.memory_space<hbm>>
    tpu.enqueue_indirect_dma source(%dma_start3A_146 : memref<1024x512xf32, #tpu.memory_space<hbm>>) target(%arg8 : memref<72x512xf32, #tpu.memory_space<vmem>>) offsets(%dma_start3A_143 : memref<72xi32, #tpu.memory_space<vmem>>) semaphore(%arg11 : memref<!tpu.dma_semaphore, #tpu.memory_space<semaphore_mem>>)
    %dma_wait3A_147 = arith.constant 216 : i32
    %dma_wait3A_148 = tpu.memref_slice %arg6[%dma_wait3A_147] : memref<576xi32, #tpu.memory_space<vmem>> -> memref<72xi32, #tpu.memory_space<vmem>>
    %dma_wait3A_149 = arith.constant 0 : i32
    %dma_wait3A_150 = arith.constant 0 : i32
    %dma_wait3A_151 = tpu.memref_slice %arg2[%dma_wait3A_149, %dma_wait3A_150] : memref<1024x512xf32, #tpu.memory_space<hbm>> -> memref<1024x512xf32, #tpu.memory_space<hbm>>
    tpu.wait_indirect_dma semaphore(%arg10 : memref<!tpu.dma_semaphore, #tpu.memory_space<semaphore_mem>>) src(%dma_wait3A_151 : memref<1024x512xf32, #tpu.memory_space<hbm>>) dst(%arg7 : memref<72x512xf32, #tpu.memory_space<vmem>>)
    %add3A_152 = arith.constant 216 : i32
    %add3A_153 = arith.addi %mul3A_2, %add3A_152 : i32
    %dma_start3A_154 = arith.constant 0 : i32
    %dma_start3A_155 = arith.constant 0 : i32
    %dma_start3A_156 = tpu.memref_slice %arg7[%dma_start3A_154, %dma_start3A_155] : memref<72x512xf32, #tpu.memory_space<vmem>> -> memref<72x256xf32, #tpu.memory_space<vmem>>
    %dma_start3A_157 = arith.constant 0 : i32
    %dma_start3A_158 = tpu.memref_slice %arg4[%add3A_153, %dma_start3A_157] : memref<18432x256xf32, #tpu.memory_space<hbm>> -> memref<72x256xf32, #tpu.memory_space<hbm>>
    %dma_start3A_159 = arith.constant 0 : i32
    %dma_start3A_160 = tpu.memref_slice %arg4[%add3A_153, %dma_start3A_159] : memref<18432x256xf32, #tpu.memory_space<hbm>> -> memref<72x256xf32, #tpu.memory_space<hbm>>
    %dma_start3A_161 = arith.constant 0 : i32
    %dma_start3A_162 = arith.constant 0 : i32
    %dma_start3A_163 = tpu.memref_slice %arg7[%dma_start3A_161, %dma_start3A_162] : memref<72x512xf32, #tpu.memory_space<vmem>> -> memref<72x256xf32, #tpu.memory_space<vmem>>
    tpu.enqueue_dma source(%dma_start3A_163 : memref<72x256xf32, #tpu.memory_space<vmem>>) target(%dma_start3A_160 : memref<72x256xf32, #tpu.memory_space<hbm>>) target_semaphore(%arg13 : memref<!tpu.dma_semaphore, #tpu.memory_space<semaphore_mem>>)
    %dma_start3A_164 = arith.constant 0 : i32
    %dma_start3A_165 = arith.constant 256 : i32
    %dma_start3A_166 = tpu.memref_slice %arg7[%dma_start3A_164, %dma_start3A_165] : memref<72x512xf32, #tpu.memory_space<vmem>> -> memref<72x256xf32, #tpu.memory_space<vmem>>
    %dma_start3A_167 = arith.constant 0 : i32
    %dma_start3A_168 = tpu.memref_slice %arg5[%add3A_153, %dma_start3A_167] : memref<18432x256xf32, #tpu.memory_space<hbm>> -> memref<72x256xf32, #tpu.memory_space<hbm>>
    %dma_start3A_169 = arith.constant 0 : i32
    %dma_start3A_170 = tpu.memref_slice %arg5[%add3A_153, %dma_start3A_169] : memref<18432x256xf32, #tpu.memory_space<hbm>> -> memref<72x256xf32, #tpu.memory_space<hbm>>
    %dma_start3A_171 = arith.constant 0 : i32
    %dma_start3A_172 = arith.constant 256 : i32
    %dma_start3A_173 = tpu.memref_slice %arg7[%dma_start3A_171, %dma_start3A_172] : memref<72x512xf32, #tpu.memory_space<vmem>> -> memref<72x256xf32, #tpu.memory_space<vmem>>
    tpu.enqueue_dma source(%dma_start3A_173 : memref<72x256xf32, #tpu.memory_space<vmem>>) target(%dma_start3A_170 : memref<72x256xf32, #tpu.memory_space<hbm>>) target_semaphore(%arg13 : memref<!tpu.dma_semaphore, #tpu.memory_space<semaphore_mem>>)
    %dma_wait3A_174 = arith.constant 0 : i32
    %dma_wait3A_175 = arith.constant 0 : i32
    %dma_wait3A_176 = tpu.memref_slice %arg9[%dma_wait3A_174, %dma_wait3A_175] : memref<72x512xf32, #tpu.memory_space<vmem>> -> memref<72x256xf32, #tpu.memory_space<vmem>>
    %dma_wait3A_177 = arith.constant 0 : i32
    %dma_wait3A_178 = tpu.memref_slice %arg4[%add3A_101, %dma_wait3A_177] : memref<18432x256xf32, #tpu.memory_space<hbm>> -> memref<72x256xf32, #tpu.memory_space<hbm>>
    %dma_wait3A_179 = arith.constant 0 : i32
    %dma_wait3A_180 = tpu.memref_slice %arg4[%add3A_101, %dma_wait3A_179] : memref<18432x256xf32, #tpu.memory_space<hbm>> -> memref<72x256xf32, #tpu.memory_space<hbm>>
    %dma_wait3A_181 = arith.constant 0 : i32
    %dma_wait3A_182 = arith.constant 0 : i32
    %dma_wait3A_183 = tpu.memref_slice %arg9[%dma_wait3A_181, %dma_wait3A_182] : memref<72x512xf32, #tpu.memory_space<vmem>> -> memref<72x256xf32, #tpu.memory_space<vmem>>
    tpu.wait_dma2 semaphore(%arg15 : memref<!tpu.dma_semaphore, #tpu.memory_space<semaphore_mem>>) src(%dma_wait3A_183 : memref<72x256xf32, #tpu.memory_space<vmem>>) dst(%dma_wait3A_180 : memref<72x256xf32, #tpu.memory_space<hbm>>)
    %dma_wait3A_184 = arith.constant 0 : i32
    %dma_wait3A_185 = arith.constant 256 : i32
    %dma_wait3A_186 = tpu.memref_slice %arg9[%dma_wait3A_184, %dma_wait3A_185] : memref<72x512xf32, #tpu.memory_space<vmem>> -> memref<72x256xf32, #tpu.memory_space<vmem>>
    %dma_wait3A_187 = arith.constant 0 : i32
    %dma_wait3A_188 = tpu.memref_slice %arg5[%add3A_101, %dma_wait3A_187] : memref<18432x256xf32, #tpu.memory_space<hbm>> -> memref<72x256xf32, #tpu.memory_space<hbm>>
    %dma_wait3A_189 = arith.constant 0 : i32
    %dma_wait3A_190 = tpu.memref_slice %arg5[%add3A_101, %dma_wait3A_189] : memref<18432x256xf32, #tpu.memory_space<hbm>> -> memref<72x256xf32, #tpu.memory_space<hbm>>
    %dma_wait3A_191 = arith.constant 0 : i32
    %dma_wait3A_192 = arith.constant 256 : i32
    %dma_wait3A_193 = tpu.memref_slice %arg9[%dma_wait3A_191, %dma_wait3A_192] : memref<72x512xf32, #tpu.memory_space<vmem>> -> memref<72x256xf32, #tpu.memory_space<vmem>>
    tpu.wait_dma2 semaphore(%arg15 : memref<!tpu.dma_semaphore, #tpu.memory_space<semaphore_mem>>) src(%dma_wait3A_193 : memref<72x256xf32, #tpu.memory_space<vmem>>) dst(%dma_wait3A_190 : memref<72x256xf32, #tpu.memory_space<hbm>>)
    %dma_start3A_194 = arith.constant 360 : i32
    %dma_start3A_195 = tpu.memref_slice %arg6[%dma_start3A_194] : memref<576xi32, #tpu.memory_space<vmem>> -> memref<72xi32, #tpu.memory_space<vmem>>
    %dma_start3A_196 = arith.constant 0 : i32
    %dma_start3A_197 = arith.constant 0 : i32
    %dma_start3A_198 = tpu.memref_slice %arg2[%dma_start3A_196, %dma_start3A_197] : memref<1024x512xf32, #tpu.memory_space<hbm>> -> memref<1024x512xf32, #tpu.memory_space<hbm>>
    tpu.enqueue_indirect_dma source(%dma_start3A_198 : memref<1024x512xf32, #tpu.memory_space<hbm>>) target(%arg9 : memref<72x512xf32, #tpu.memory_space<vmem>>) offsets(%dma_start3A_195 : memref<72xi32, #tpu.memory_space<vmem>>) semaphore(%arg12 : memref<!tpu.dma_semaphore, #tpu.memory_space<semaphore_mem>>)
    %dma_wait3A_199 = arith.constant 288 : i32
    %dma_wait3A_200 = tpu.memref_slice %arg6[%dma_wait3A_199] : memref<576xi32, #tpu.memory_space<vmem>> -> memref<72xi32, #tpu.memory_space<vmem>>
    %dma_wait3A_201 = arith.constant 0 : i32
    %dma_wait3A_202 = arith.constant 0 : i32
    %dma_wait3A_203 = tpu.memref_slice %arg2[%dma_wait3A_201, %dma_wait3A_202] : memref<1024x512xf32, #tpu.memory_space<hbm>> -> memref<1024x512xf32, #tpu.memory_space<hbm>>
    tpu.wait_indirect_dma semaphore(%arg11 : memref<!tpu.dma_semaphore, #tpu.memory_space<semaphore_mem>>) src(%dma_wait3A_203 : memref<1024x512xf32, #tpu.memory_space<hbm>>) dst(%arg8 : memref<72x512xf32, #tpu.memory_space<vmem>>)
    %add3A_204 = arith.constant 288 : i32
    %add3A_205 = arith.addi %mul3A_2, %add3A_204 : i32
    %dma_start3A_206 = arith.constant 0 : i32
    %dma_start3A_207 = arith.constant 0 : i32
    %dma_start3A_208 = tpu.memref_slice %arg8[%dma_start3A_206, %dma_start3A_207] : memref<72x512xf32, #tpu.memory_space<vmem>> -> memref<72x256xf32, #tpu.memory_space<vmem>>
    %dma_start3A_209 = arith.constant 0 : i32
    %dma_start3A_210 = tpu.memref_slice %arg4[%add3A_205, %dma_start3A_209] : memref<18432x256xf32, #tpu.memory_space<hbm>> -> memref<72x256xf32, #tpu.memory_space<hbm>>
    %dma_start3A_211 = arith.constant 0 : i32
    %dma_start3A_212 = tpu.memref_slice %arg4[%add3A_205, %dma_start3A_211] : memref<18432x256xf32, #tpu.memory_space<hbm>> -> memref<72x256xf32, #tpu.memory_space<hbm>>
    %dma_start3A_213 = arith.constant 0 : i32
    %dma_start3A_214 = arith.constant 0 : i32
    %dma_start3A_215 = tpu.memref_slice %arg8[%dma_start3A_213, %dma_start3A_214] : memref<72x512xf32, #tpu.memory_space<vmem>> -> memref<72x256xf32, #tpu.memory_space<vmem>>
    tpu.enqueue_dma source(%dma_start3A_215 : memref<72x256xf32, #tpu.memory_space<vmem>>) target(%dma_start3A_212 : memref<72x256xf32, #tpu.memory_space<hbm>>) target_semaphore(%arg14 : memref<!tpu.dma_semaphore, #tpu.memory_space<semaphore_mem>>)
    %dma_start3A_216 = arith.constant 0 : i32
    %dma_start3A_217 = arith.constant 256 : i32
    %dma_start3A_218 = tpu.memref_slice %arg8[%dma_start3A_216, %dma_start3A_217] : memref<72x512xf32, #tpu.memory_space<vmem>> -> memref<72x256xf32, #tpu.memory_space<vmem>>
    %dma_start3A_219 = arith.constant 0 : i32
    %dma_start3A_220 = tpu.memref_slice %arg5[%add3A_205, %dma_start3A_219] : memref<18432x256xf32, #tpu.memory_space<hbm>> -> memref<72x256xf32, #tpu.memory_space<hbm>>
    %dma_start3A_221 = arith.constant 0 : i32
    %dma_start3A_222 = tpu.memref_slice %arg5[%add3A_205, %dma_start3A_221] : memref<18432x256xf32, #tpu.memory_space<hbm>> -> memref<72x256xf32, #tpu.memory_space<hbm>>
    %dma_start3A_223 = arith.constant 0 : i32
    %dma_start3A_224 = arith.constant 256 : i32
    %dma_start3A_225 = tpu.memref_slice %arg8[%dma_start3A_223, %dma_start3A_224] : memref<72x512xf32, #tpu.memory_space<vmem>> -> memref<72x256xf32, #tpu.memory_space<vmem>>
    tpu.enqueue_dma source(%dma_start3A_225 : memref<72x256xf32, #tpu.memory_space<vmem>>) target(%dma_start3A_222 : memref<72x256xf32, #tpu.memory_space<hbm>>) target_semaphore(%arg14 : memref<!tpu.dma_semaphore, #tpu.memory_space<semaphore_mem>>)
    %dma_wait3A_226 = arith.constant 0 : i32
    %dma_wait3A_227 = arith.constant 0 : i32
    %dma_wait3A_228 = tpu.memref_slice %arg7[%dma_wait3A_226, %dma_wait3A_227] : memref<72x512xf32, #tpu.memory_space<vmem>> -> memref<72x256xf32, #tpu.memory_space<vmem>>
    %dma_wait3A_229 = arith.constant 0 : i32
    %dma_wait3A_230 = tpu.memref_slice %arg4[%add3A_153, %dma_wait3A_229] : memref<18432x256xf32, #tpu.memory_space<hbm>> -> memref<72x256xf32, #tpu.memory_space<hbm>>
    %dma_wait3A_231 = arith.constant 0 : i32
    %dma_wait3A_232 = tpu.memref_slice %arg4[%add3A_153, %dma_wait3A_231] : memref<18432x256xf32, #tpu.memory_space<hbm>> -> memref<72x256xf32, #tpu.memory_space<hbm>>
    %dma_wait3A_233 = arith.constant 0 : i32
    %dma_wait3A_234 = arith.constant 0 : i32
    %dma_wait3A_235 = tpu.memref_slice %arg7[%dma_wait3A_233, %dma_wait3A_234] : memref<72x512xf32, #tpu.memory_space<vmem>> -> memref<72x256xf32, #tpu.memory_space<vmem>>
    tpu.wait_dma2 semaphore(%arg13 : memref<!tpu.dma_semaphore, #tpu.memory_space<semaphore_mem>>) src(%dma_wait3A_235 : memref<72x256xf32, #tpu.memory_space<vmem>>) dst(%dma_wait3A_232 : memref<72x256xf32, #tpu.memory_space<hbm>>)
    %dma_wait3A_236 = arith.constant 0 : i32
    %dma_wait3A_237 = arith.constant 256 : i32
    %dma_wait3A_238 = tpu.memref_slice %arg7[%dma_wait3A_236, %dma_wait3A_237] : memref<72x512xf32, #tpu.memory_space<vmem>> -> memref<72x256xf32, #tpu.memory_space<vmem>>
    %dma_wait3A_239 = arith.constant 0 : i32
    %dma_wait3A_240 = tpu.memref_slice %arg5[%add3A_153, %dma_wait3A_239] : memref<18432x256xf32, #tpu.memory_space<hbm>> -> memref<72x256xf32, #tpu.memory_space<hbm>>
    %dma_wait3A_241 = arith.constant 0 : i32
    %dma_wait3A_242 = tpu.memref_slice %arg5[%add3A_153, %dma_wait3A_241] : memref<18432x256xf32, #tpu.memory_space<hbm>> -> memref<72x256xf32, #tpu.memory_space<hbm>>
    %dma_wait3A_243 = arith.constant 0 : i32
    %dma_wait3A_244 = arith.constant 256 : i32
    %dma_wait3A_245 = tpu.memref_slice %arg7[%dma_wait3A_243, %dma_wait3A_244] : memref<72x512xf32, #tpu.memory_space<vmem>> -> memref<72x256xf32, #tpu.memory_space<vmem>>
    tpu.wait_dma2 semaphore(%arg13 : memref<!tpu.dma_semaphore, #tpu.memory_space<semaphore_mem>>) src(%dma_wait3A_245 : memref<72x256xf32, #tpu.memory_space<vmem>>) dst(%dma_wait3A_242 : memref<72x256xf32, #tpu.memory_space<hbm>>)
    %dma_start3A_246 = arith.constant 432 : i32
    %dma_start3A_247 = tpu.memref_slice %arg6[%dma_start3A_246] : memref<576xi32, #tpu.memory_space<vmem>> -> memref<72xi32, #tpu.memory_space<vmem>>
    %dma_start3A_248 = arith.constant 0 : i32
    %dma_start3A_249 = arith.constant 0 : i32
    %dma_start3A_250 = tpu.memref_slice %arg2[%dma_start3A_248, %dma_start3A_249] : memref<1024x512xf32, #tpu.memory_space<hbm>> -> memref<1024x512xf32, #tpu.memory_space<hbm>>
    tpu.enqueue_indirect_dma source(%dma_start3A_250 : memref<1024x512xf32, #tpu.memory_space<hbm>>) target(%arg7 : memref<72x512xf32, #tpu.memory_space<vmem>>) offsets(%dma_start3A_247 : memref<72xi32, #tpu.memory_space<vmem>>) semaphore(%arg10 : memref<!tpu.dma_semaphore, #tpu.memory_space<semaphore_mem>>)
    %dma_wait3A_251 = arith.constant 360 : i32
    %dma_wait3A_252 = tpu.memref_slice %arg6[%dma_wait3A_251] : memref<576xi32, #tpu.memory_space<vmem>> -> memref<72xi32, #tpu.memory_space<vmem>>
    %dma_wait3A_253 = arith.constant 0 : i32
    %dma_wait3A_254 = arith.constant 0 : i32
    %dma_wait3A_255 = tpu.memref_slice %arg2[%dma_wait3A_253, %dma_wait3A_254] : memref<1024x512xf32, #tpu.memory_space<hbm>> -> memref<1024x512xf32, #tpu.memory_space<hbm>>
    tpu.wait_indirect_dma semaphore(%arg12 : memref<!tpu.dma_semaphore, #tpu.memory_space<semaphore_mem>>) src(%dma_wait3A_255 : memref<1024x512xf32, #tpu.memory_space<hbm>>) dst(%arg9 : memref<72x512xf32, #tpu.memory_space<vmem>>)
    %add3A_256 = arith.constant 360 : i32
    %add3A_257 = arith.addi %mul3A_2, %add3A_256 : i32
    %dma_start3A_258 = arith.constant 0 : i32
    %dma_start3A_259 = arith.constant 0 : i32
    %dma_start3A_260 = tpu.memref_slice %arg9[%dma_start3A_258, %dma_start3A_259] : memref<72x512xf32, #tpu.memory_space<vmem>> -> memref<72x256xf32, #tpu.memory_space<vmem>>
    %dma_start3A_261 = arith.constant 0 : i32
    %dma_start3A_262 = tpu.memref_slice %arg4[%add3A_257, %dma_start3A_261] : memref<18432x256xf32, #tpu.memory_space<hbm>> -> memref<72x256xf32, #tpu.memory_space<hbm>>
    %dma_start3A_263 = arith.constant 0 : i32
    %dma_start3A_264 = tpu.memref_slice %arg4[%add3A_257, %dma_start3A_263] : memref<18432x256xf32, #tpu.memory_space<hbm>> -> memref<72x256xf32, #tpu.memory_space<hbm>>
    %dma_start3A_265 = arith.constant 0 : i32
    %dma_start3A_266 = arith.constant 0 : i32
    %dma_start3A_267 = tpu.memref_slice %arg9[%dma_start3A_265, %dma_start3A_266] : memref<72x512xf32, #tpu.memory_space<vmem>> -> memref<72x256xf32, #tpu.memory_space<vmem>>
    tpu.enqueue_dma source(%dma_start3A_267 : memref<72x256xf32, #tpu.memory_space<vmem>>) target(%dma_start3A_264 : memref<72x256xf32, #tpu.memory_space<hbm>>) target_semaphore(%arg15 : memref<!tpu.dma_semaphore, #tpu.memory_space<semaphore_mem>>)
    %dma_start3A_268 = arith.constant 0 : i32
    %dma_start3A_269 = arith.constant 256 : i32
    %dma_start3A_270 = tpu.memref_slice %arg9[%dma_start3A_268, %dma_start3A_269] : memref<72x512xf32, #tpu.memory_space<vmem>> -> memref<72x256xf32, #tpu.memory_space<vmem>>
    %dma_start3A_271 = arith.constant 0 : i32
    %dma_start3A_272 = tpu.memref_slice %arg5[%add3A_257, %dma_start3A_271] : memref<18432x256xf32, #tpu.memory_space<hbm>> -> memref<72x256xf32, #tpu.memory_space<hbm>>
    %dma_start3A_273 = arith.constant 0 : i32
    %dma_start3A_274 = tpu.memref_slice %arg5[%add3A_257, %dma_start3A_273] : memref<18432x256xf32, #tpu.memory_space<hbm>> -> memref<72x256xf32, #tpu.memory_space<hbm>>
    %dma_start3A_275 = arith.constant 0 : i32
    %dma_start3A_276 = arith.constant 256 : i32
    %dma_start3A_277 = tpu.memref_slice %arg9[%dma_start3A_275, %dma_start3A_276] : memref<72x512xf32, #tpu.memory_space<vmem>> -> memref<72x256xf32, #tpu.memory_space<vmem>>
    tpu.enqueue_dma source(%dma_start3A_277 : memref<72x256xf32, #tpu.memory_space<vmem>>) target(%dma_start3A_274 : memref<72x256xf32, #tpu.memory_space<hbm>>) target_semaphore(%arg15 : memref<!tpu.dma_semaphore, #tpu.memory_space<semaphore_mem>>)
    %dma_wait3A_278 = arith.constant 0 : i32
    %dma_wait3A_279 = arith.constant 0 : i32
    %dma_wait3A_280 = tpu.memref_slice %arg8[%dma_wait3A_278, %dma_wait3A_279] : memref<72x512xf32, #tpu.memory_space<vmem>> -> memref<72x256xf32, #tpu.memory_space<vmem>>
    %dma_wait3A_281 = arith.constant 0 : i32
    %dma_wait3A_282 = tpu.memref_slice %arg4[%add3A_205, %dma_wait3A_281] : memref<18432x256xf32, #tpu.memory_space<hbm>> -> memref<72x256xf32, #tpu.memory_space<hbm>>
    %dma_wait3A_283 = arith.constant 0 : i32
    %dma_wait3A_284 = tpu.memref_slice %arg4[%add3A_205, %dma_wait3A_283] : memref<18432x256xf32, #tpu.memory_space<hbm>> -> memref<72x256xf32, #tpu.memory_space<hbm>>
    %dma_wait3A_285 = arith.constant 0 : i32
    %dma_wait3A_286 = arith.constant 0 : i32
    %dma_wait3A_287 = tpu.memref_slice %arg8[%dma_wait3A_285, %dma_wait3A_286] : memref<72x512xf32, #tpu.memory_space<vmem>> -> memref<72x256xf32, #tpu.memory_space<vmem>>
    tpu.wait_dma2 semaphore(%arg14 : memref<!tpu.dma_semaphore, #tpu.memory_space<semaphore_mem>>) src(%dma_wait3A_287 : memref<72x256xf32, #tpu.memory_space<vmem>>) dst(%dma_wait3A_284 : memref<72x256xf32, #tpu.memory_space<hbm>>)
    %dma_wait3A_288 = arith.constant 0 : i32
    %dma_wait3A_289 = arith.constant 256 : i32
    %dma_wait3A_290 = tpu.memref_slice %arg8[%dma_wait3A_288, %dma_wait3A_289] : memref<72x512xf32, #tpu.memory_space<vmem>> -> memref<72x256xf32, #tpu.memory_space<vmem>>
    %dma_wait3A_291 = arith.constant 0 : i32
    %dma_wait3A_292 = tpu.memref_slice %arg5[%add3A_205, %dma_wait3A_291] : memref<18432x256xf32, #tpu.memory_space<hbm>> -> memref<72x256xf32, #tpu.memory_space<hbm>>
    %dma_wait3A_293 = arith.constant 0 : i32
    %dma_wait3A_294 = tpu.memref_slice %arg5[%add3A_205, %dma_wait3A_293] : memref<18432x256xf32, #tpu.memory_space<hbm>> -> memref<72x256xf32, #tpu.memory_space<hbm>>
    %dma_wait3A_295 = arith.constant 0 : i32
    %dma_wait3A_296 = arith.constant 256 : i32
    %dma_wait3A_297 = tpu.memref_slice %arg8[%dma_wait3A_295, %dma_wait3A_296] : memref<72x512xf32, #tpu.memory_space<vmem>> -> memref<72x256xf32, #tpu.memory_space<vmem>>
    tpu.wait_dma2 semaphore(%arg14 : memref<!tpu.dma_semaphore, #tpu.memory_space<semaphore_mem>>) src(%dma_wait3A_297 : memref<72x256xf32, #tpu.memory_space<vmem>>) dst(%dma_wait3A_294 : memref<72x256xf32, #tpu.memory_space<hbm>>)
    %dma_start3A_298 = arith.constant 504 : i32
    %dma_start3A_299 = tpu.memref_slice %arg6[%dma_start3A_298] : memref<576xi32, #tpu.memory_space<vmem>> -> memref<72xi32, #tpu.memory_space<vmem>>
    %dma_start3A_300 = arith.constant 0 : i32
    %dma_start3A_301 = arith.constant 0 : i32
    %dma_start3A_302 = tpu.memref_slice %arg2[%dma_start3A_300, %dma_start3A_301] : memref<1024x512xf32, #tpu.memory_space<hbm>> -> memref<1024x512xf32, #tpu.memory_space<hbm>>
    tpu.enqueue_indirect_dma source(%dma_start3A_302 : memref<1024x512xf32, #tpu.memory_space<hbm>>) target(%arg8 : memref<72x512xf32, #tpu.memory_space<vmem>>) offsets(%dma_start3A_299 : memref<72xi32, #tpu.memory_space<vmem>>) semaphore(%arg11 : memref<!tpu.dma_semaphore, #tpu.memory_space<semaphore_mem>>)
    %dma_wait3A_303 = arith.constant 432 : i32
    %dma_wait3A_304 = tpu.memref_slice %arg6[%dma_wait3A_303] : memref<576xi32, #tpu.memory_space<vmem>> -> memref<72xi32, #tpu.memory_space<vmem>>
    %dma_wait3A_305 = arith.constant 0 : i32
    %dma_wait3A_306 = arith.constant 0 : i32
    %dma_wait3A_307 = tpu.memref_slice %arg2[%dma_wait3A_305, %dma_wait3A_306] : memref<1024x512xf32, #tpu.memory_space<hbm>> -> memref<1024x512xf32, #tpu.memory_space<hbm>>
    tpu.wait_indirect_dma semaphore(%arg10 : memref<!tpu.dma_semaphore, #tpu.memory_space<semaphore_mem>>) src(%dma_wait3A_307 : memref<1024x512xf32, #tpu.memory_space<hbm>>) dst(%arg7 : memref<72x512xf32, #tpu.memory_space<vmem>>)
    %add3A_308 = arith.constant 432 : i32
    %add3A_309 = arith.addi %mul3A_2, %add3A_308 : i32
    %dma_start3A_310 = arith.constant 0 : i32
    %dma_start3A_311 = arith.constant 0 : i32
    %dma_start3A_312 = tpu.memref_slice %arg7[%dma_start3A_310, %dma_start3A_311] : memref<72x512xf32, #tpu.memory_space<vmem>> -> memref<72x256xf32, #tpu.memory_space<vmem>>
    %dma_start3A_313 = arith.constant 0 : i32
    %dma_start3A_314 = tpu.memref_slice %arg4[%add3A_309, %dma_start3A_313] : memref<18432x256xf32, #tpu.memory_space<hbm>> -> memref<72x256xf32, #tpu.memory_space<hbm>>
    %dma_start3A_315 = arith.constant 0 : i32
    %dma_start3A_316 = tpu.memref_slice %arg4[%add3A_309, %dma_start3A_315] : memref<18432x256xf32, #tpu.memory_space<hbm>> -> memref<72x256xf32, #tpu.memory_space<hbm>>
    %dma_start3A_317 = arith.constant 0 : i32
    %dma_start3A_318 = arith.constant 0 : i32
    %dma_start3A_319 = tpu.memref_slice %arg7[%dma_start3A_317, %dma_start3A_318] : memref<72x512xf32, #tpu.memory_space<vmem>> -> memref<72x256xf32, #tpu.memory_space<vmem>>
    tpu.enqueue_dma source(%dma_start3A_319 : memref<72x256xf32, #tpu.memory_space<vmem>>) target(%dma_start3A_316 : memref<72x256xf32, #tpu.memory_space<hbm>>) target_semaphore(%arg13 : memref<!tpu.dma_semaphore, #tpu.memory_space<semaphore_mem>>)
    %dma_start3A_320 = arith.constant 0 : i32
    %dma_start3A_321 = arith.constant 256 : i32
    %dma_start3A_322 = tpu.memref_slice %arg7[%dma_start3A_320, %dma_start3A_321] : memref<72x512xf32, #tpu.memory_space<vmem>> -> memref<72x256xf32, #tpu.memory_space<vmem>>
    %dma_start3A_323 = arith.constant 0 : i32
    %dma_start3A_324 = tpu.memref_slice %arg5[%add3A_309, %dma_start3A_323] : memref<18432x256xf32, #tpu.memory_space<hbm>> -> memref<72x256xf32, #tpu.memory_space<hbm>>
    %dma_start3A_325 = arith.constant 0 : i32
    %dma_start3A_326 = tpu.memref_slice %arg5[%add3A_309, %dma_start3A_325] : memref<18432x256xf32, #tpu.memory_space<hbm>> -> memref<72x256xf32, #tpu.memory_space<hbm>>
    %dma_start3A_327 = arith.constant 0 : i32
    %dma_start3A_328 = arith.constant 256 : i32
    %dma_start3A_329 = tpu.memref_slice %arg7[%dma_start3A_327, %dma_start3A_328] : memref<72x512xf32, #tpu.memory_space<vmem>> -> memref<72x256xf32, #tpu.memory_space<vmem>>
    tpu.enqueue_dma source(%dma_start3A_329 : memref<72x256xf32, #tpu.memory_space<vmem>>) target(%dma_start3A_326 : memref<72x256xf32, #tpu.memory_space<hbm>>) target_semaphore(%arg13 : memref<!tpu.dma_semaphore, #tpu.memory_space<semaphore_mem>>)
    %dma_wait3A_330 = arith.constant 504 : i32
    %dma_wait3A_331 = tpu.memref_slice %arg6[%dma_wait3A_330] : memref<576xi32, #tpu.memory_space<vmem>> -> memref<72xi32, #tpu.memory_space<vmem>>
    %dma_wait3A_332 = arith.constant 0 : i32
    %dma_wait3A_333 = arith.constant 0 : i32
    %dma_wait3A_334 = tpu.memref_slice %arg2[%dma_wait3A_332, %dma_wait3A_333] : memref<1024x512xf32, #tpu.memory_space<hbm>> -> memref<1024x512xf32, #tpu.memory_space<hbm>>
    tpu.wait_indirect_dma semaphore(%arg11 : memref<!tpu.dma_semaphore, #tpu.memory_space<semaphore_mem>>) src(%dma_wait3A_334 : memref<1024x512xf32, #tpu.memory_space<hbm>>) dst(%arg8 : memref<72x512xf32, #tpu.memory_space<vmem>>)
    %add3A_335 = arith.constant 504 : i32
    %add3A_336 = arith.addi %mul3A_2, %add3A_335 : i32
    %dma_start3A_337 = arith.constant 0 : i32
    %dma_start3A_338 = arith.constant 0 : i32
    %dma_start3A_339 = tpu.memref_slice %arg8[%dma_start3A_337, %dma_start3A_338] : memref<72x512xf32, #tpu.memory_space<vmem>> -> memref<72x256xf32, #tpu.memory_space<vmem>>
    %dma_start3A_340 = arith.constant 0 : i32
    %dma_start3A_341 = tpu.memref_slice %arg4[%add3A_336, %dma_start3A_340] : memref<18432x256xf32, #tpu.memory_space<hbm>> -> memref<72x256xf32, #tpu.memory_space<hbm>>
    %dma_start3A_342 = arith.constant 0 : i32
    %dma_start3A_343 = tpu.memref_slice %arg4[%add3A_336, %dma_start3A_342] : memref<18432x256xf32, #tpu.memory_space<hbm>> -> memref<72x256xf32, #tpu.memory_space<hbm>>
    %dma_start3A_344 = arith.constant 0 : i32
    %dma_start3A_345 = arith.constant 0 : i32
    %dma_start3A_346 = tpu.memref_slice %arg8[%dma_start3A_344, %dma_start3A_345] : memref<72x512xf32, #tpu.memory_space<vmem>> -> memref<72x256xf32, #tpu.memory_space<vmem>>
    tpu.enqueue_dma source(%dma_start3A_346 : memref<72x256xf32, #tpu.memory_space<vmem>>) target(%dma_start3A_343 : memref<72x256xf32, #tpu.memory_space<hbm>>) target_semaphore(%arg14 : memref<!tpu.dma_semaphore, #tpu.memory_space<semaphore_mem>>)
    %dma_start3A_347 = arith.constant 0 : i32
    %dma_start3A_348 = arith.constant 256 : i32
    %dma_start3A_349 = tpu.memref_slice %arg8[%dma_start3A_347, %dma_start3A_348] : memref<72x512xf32, #tpu.memory_space<vmem>> -> memref<72x256xf32, #tpu.memory_space<vmem>>
    %dma_start3A_350 = arith.constant 0 : i32
    %dma_start3A_351 = tpu.memref_slice %arg5[%add3A_336, %dma_start3A_350] : memref<18432x256xf32, #tpu.memory_space<hbm>> -> memref<72x256xf32, #tpu.memory_space<hbm>>
    %dma_start3A_352 = arith.constant 0 : i32
    %dma_start3A_353 = tpu.memref_slice %arg5[%add3A_336, %dma_start3A_352] : memref<18432x256xf32, #tpu.memory_space<hbm>> -> memref<72x256xf32, #tpu.memory_space<hbm>>
    %dma_start3A_354 = arith.constant 0 : i32
    %dma_start3A_355 = arith.constant 256 : i32
    %dma_start3A_356 = tpu.memref_slice %arg8[%dma_start3A_354, %dma_start3A_355] : memref<72x512xf32, #tpu.memory_space<vmem>> -> memref<72x256xf32, #tpu.memory_space<vmem>>
    tpu.enqueue_dma source(%dma_start3A_356 : memref<72x256xf32, #tpu.memory_space<vmem>>) target(%dma_start3A_353 : memref<72x256xf32, #tpu.memory_space<hbm>>) target_semaphore(%arg14 : memref<!tpu.dma_semaphore, #tpu.memory_space<semaphore_mem>>)
    %dma_wait3A_357 = arith.constant 0 : i32
    %dma_wait3A_358 = arith.constant 0 : i32
    %dma_wait3A_359 = tpu.memref_slice %arg9[%dma_wait3A_357, %dma_wait3A_358] : memref<72x512xf32, #tpu.memory_space<vmem>> -> memref<72x256xf32, #tpu.memory_space<vmem>>
    %dma_wait3A_360 = arith.constant 0 : i32
    %dma_wait3A_361 = tpu.memref_slice %arg4[%add3A_257, %dma_wait3A_360] : memref<18432x256xf32, #tpu.memory_space<hbm>> -> memref<72x256xf32, #tpu.memory_space<hbm>>
    %dma_wait3A_362 = arith.constant 0 : i32
    %dma_wait3A_363 = tpu.memref_slice %arg4[%add3A_257, %dma_wait3A_362] : memref<18432x256xf32, #tpu.memory_space<hbm>> -> memref<72x256xf32, #tpu.memory_space<hbm>>
    %dma_wait3A_364 = arith.constant 0 : i32
    %dma_wait3A_365 = arith.constant 0 : i32
    %dma_wait3A_366 = tpu.memref_slice %arg9[%dma_wait3A_364, %dma_wait3A_365] : memref<72x512xf32, #tpu.memory_space<vmem>> -> memref<72x256xf32, #tpu.memory_space<vmem>>
    tpu.wait_dma2 semaphore(%arg15 : memref<!tpu.dma_semaphore, #tpu.memory_space<semaphore_mem>>) src(%dma_wait3A_366 : memref<72x256xf32, #tpu.memory_space<vmem>>) dst(%dma_wait3A_363 : memref<72x256xf32, #tpu.memory_space<hbm>>)
    %dma_wait3A_367 = arith.constant 0 : i32
    %dma_wait3A_368 = arith.constant 256 : i32
    %dma_wait3A_369 = tpu.memref_slice %arg9[%dma_wait3A_367, %dma_wait3A_368] : memref<72x512xf32, #tpu.memory_space<vmem>> -> memref<72x256xf32, #tpu.memory_space<vmem>>
    %dma_wait3A_370 = arith.constant 0 : i32
    %dma_wait3A_371 = tpu.memref_slice %arg5[%add3A_257, %dma_wait3A_370] : memref<18432x256xf32, #tpu.memory_space<hbm>> -> memref<72x256xf32, #tpu.memory_space<hbm>>
    %dma_wait3A_372 = arith.constant 0 : i32
    %dma_wait3A_373 = tpu.memref_slice %arg5[%add3A_257, %dma_wait3A_372] : memref<18432x256xf32, #tpu.memory_space<hbm>> -> memref<72x256xf32, #tpu.memory_space<hbm>>
    %dma_wait3A_374 = arith.constant 0 : i32
    %dma_wait3A_375 = arith.constant 256 : i32
    %dma_wait3A_376 = tpu.memref_slice %arg9[%dma_wait3A_374, %dma_wait3A_375] : memref<72x512xf32, #tpu.memory_space<vmem>> -> memref<72x256xf32, #tpu.memory_space<vmem>>
    tpu.wait_dma2 semaphore(%arg15 : memref<!tpu.dma_semaphore, #tpu.memory_space<semaphore_mem>>) src(%dma_wait3A_376 : memref<72x256xf32, #tpu.memory_space<vmem>>) dst(%dma_wait3A_373 : memref<72x256xf32, #tpu.memory_space<hbm>>)
    %dma_wait3A_377 = arith.constant 0 : i32
    %dma_wait3A_378 = arith.constant 0 : i32
    %dma_wait3A_379 = tpu.memref_slice %arg7[%dma_wait3A_377, %dma_wait3A_378] : memref<72x512xf32, #tpu.memory_space<vmem>> -> memref<72x256xf32, #tpu.memory_space<vmem>>
    %dma_wait3A_380 = arith.constant 0 : i32
    %dma_wait3A_381 = tpu.memref_slice %arg4[%add3A_309, %dma_wait3A_380] : memref<18432x256xf32, #tpu.memory_space<hbm>> -> memref<72x256xf32, #tpu.memory_space<hbm>>
    %dma_wait3A_382 = arith.constant 0 : i32
    %dma_wait3A_383 = tpu.memref_slice %arg4[%add3A_309, %dma_wait3A_382] : memref<18432x256xf32, #tpu.memory_space<hbm>> -> memref<72x256xf32, #tpu.memory_space<hbm>>
    %dma_wait3A_384 = arith.constant 0 : i32
    %dma_wait3A_385 = arith.constant 0 : i32
    %dma_wait3A_386 = tpu.memref_slice %arg7[%dma_wait3A_384, %dma_wait3A_385] : memref<72x512xf32, #tpu.memory_space<vmem>> -> memref<72x256xf32, #tpu.memory_space<vmem>>
    tpu.wait_dma2 semaphore(%arg13 : memref<!tpu.dma_semaphore, #tpu.memory_space<semaphore_mem>>) src(%dma_wait3A_386 : memref<72x256xf32, #tpu.memory_space<vmem>>) dst(%dma_wait3A_383 : memref<72x256xf32, #tpu.memory_space<hbm>>)
    %dma_wait3A_387 = arith.constant 0 : i32
    %dma_wait3A_388 = arith.constant 256 : i32
    %dma_wait3A_389 = tpu.memref_slice %arg7[%dma_wait3A_387, %dma_wait3A_388] : memref<72x512xf32, #tpu.memory_space<vmem>> -> memref<72x256xf32, #tpu.memory_space<vmem>>
    %dma_wait3A_390 = arith.constant 0 : i32
    %dma_wait3A_391 = tpu.memref_slice %arg5[%add3A_309, %dma_wait3A_390] : memref<18432x256xf32, #tpu.memory_space<hbm>> -> memref<72x256xf32, #tpu.memory_space<hbm>>
    %dma_wait3A_392 = arith.constant 0 : i32
    %dma_wait3A_393 = tpu.memref_slice %arg5[%add3A_309, %dma_wait3A_392] : memref<18432x256xf32, #tpu.memory_space<hbm>> -> memref<72x256xf32, #tpu.memory_space<hbm>>
    %dma_wait3A_394 = arith.constant 0 : i32
    %dma_wait3A_395 = arith.constant 256 : i32
    %dma_wait3A_396 = tpu.memref_slice %arg7[%dma_wait3A_394, %dma_wait3A_395] : memref<72x512xf32, #tpu.memory_space<vmem>> -> memref<72x256xf32, #tpu.memory_space<vmem>>
    tpu.wait_dma2 semaphore(%arg13 : memref<!tpu.dma_semaphore, #tpu.memory_space<semaphore_mem>>) src(%dma_wait3A_396 : memref<72x256xf32, #tpu.memory_space<vmem>>) dst(%dma_wait3A_393 : memref<72x256xf32, #tpu.memory_space<hbm>>)
    %dma_wait3A_397 = arith.constant 0 : i32
    %dma_wait3A_398 = arith.constant 0 : i32
    %dma_wait3A_399 = tpu.memref_slice %arg8[%dma_wait3A_397, %dma_wait3A_398] : memref<72x512xf32, #tpu.memory_space<vmem>> -> memref<72x256xf32, #tpu.memory_space<vmem>>
    %dma_wait3A_400 = arith.constant 0 : i32
    %dma_wait3A_401 = tpu.memref_slice %arg4[%add3A_336, %dma_wait3A_400] : memref<18432x256xf32, #tpu.memory_space<hbm>> -> memref<72x256xf32, #tpu.memory_space<hbm>>
    %dma_wait3A_402 = arith.constant 0 : i32
    %dma_wait3A_403 = tpu.memref_slice %arg4[%add3A_336, %dma_wait3A_402] : memref<18432x256xf32, #tpu.memory_space<hbm>> -> memref<72x256xf32, #tpu.memory_space<hbm>>
    %dma_wait3A_404 = arith.constant 0 : i32
    %dma_wait3A_405 = arith.constant 0 : i32
    %dma_wait3A_406 = tpu.memref_slice %arg8[%dma_wait3A_404, %dma_wait3A_405] : memref<72x512xf32, #tpu.memory_space<vmem>> -> memref<72x256xf32, #tpu.memory_space<vmem>>
    tpu.wait_dma2 semaphore(%arg14 : memref<!tpu.dma_semaphore, #tpu.memory_space<semaphore_mem>>) src(%dma_wait3A_406 : memref<72x256xf32, #tpu.memory_space<vmem>>) dst(%dma_wait3A_403 : memref<72x256xf32, #tpu.memory_space<hbm>>)
    %dma_wait3A_407 = arith.constant 0 : i32
    %dma_wait3A_408 = arith.constant 256 : i32
    %dma_wait3A_409 = tpu.memref_slice %arg8[%dma_wait3A_407, %dma_wait3A_408] : memref<72x512xf32, #tpu.memory_space<vmem>> -> memref<72x256xf32, #tpu.memory_space<vmem>>
    %dma_wait3A_410 = arith.constant 0 : i32
    %dma_wait3A_411 = tpu.memref_slice %arg5[%add3A_336, %dma_wait3A_410] : memref<18432x256xf32, #tpu.memory_space<hbm>> -> memref<72x256xf32, #tpu.memory_space<hbm>>
    %dma_wait3A_412 = arith.constant 0 : i32
    %dma_wait3A_413 = tpu.memref_slice %arg5[%add3A_336, %dma_wait3A_412] : memref<18432x256xf32, #tpu.memory_space<hbm>> -> memref<72x256xf32, #tpu.memory_space<hbm>>
    %dma_wait3A_414 = arith.constant 0 : i32
    %dma_wait3A_415 = arith.constant 256 : i32
    %dma_wait3A_416 = tpu.memref_slice %arg8[%dma_wait3A_414, %dma_wait3A_415] : memref<72x512xf32, #tpu.memory_space<vmem>> -> memref<72x256xf32, #tpu.memory_space<vmem>>
    tpu.wait_dma2 semaphore(%arg14 : memref<!tpu.dma_semaphore, #tpu.memory_space<semaphore_mem>>) src(%dma_wait3A_416 : memref<72x256xf32, #tpu.memory_space<vmem>>) dst(%dma_wait3A_413 : memref<72x256xf32, #tpu.memory_space<hbm>>)
    return
  }
}

module attributes {stable_mosaic.version = 14 : i64} {
  func.func @_stage2_tables_body(%arg0: memref<1024x512xf32, #tpu.memory_space<vmem>>, %arg1: memref<512x512xf32, #tpu.memory_space<vmem>>, %arg2: memref<1x512xf32, #tpu.memory_space<vmem>>, %arg3: memref<1024x1xi32, #tpu.memory_space<vmem>>, %arg4: memref<1024x1xf32, #tpu.memory_space<vmem>>) attributes {dimension_semantics = [], scalar_prefetch = 0 : i64, scratch_operands = 0 : i64, tpu.core_type = #tpu.core_type<tc>} {
    %get3A = arith.constant 0 : index
    %get3A_0 = arith.constant 0 : index
    %get3A_1 = vector.load %arg0[%get3A, %get3A_0] : memref<1024x512xf32, #tpu.memory_space<vmem>>, vector<1024x512xf32>
    %get3A_2 = arith.constant 0 : index
    %get3A_3 = arith.constant 0 : index
    %get3A_4 = vector.load %arg1[%get3A_2, %get3A_3] : memref<512x512xf32, #tpu.memory_space<vmem>>, vector<512x512xf32>
    %dot_general3A = arith.constant dense<0.000000e+00> : vector<1024x512xf32>
    %dot_general3A_5 = tpu.matmul %get3A_1, %get3A_4, %dot_general3A {dimension_numbers = #tpu.dot_dimension_numbers<[1], [1], [0], [0], [0, 0, 1, 0], [], []>, transpose_lhs_hint = false} : vector<1024x512xf32>, vector<512x512xf32>, vector<1024x512xf32> -> vector<1024x512xf32>
    %mul3A = arith.mulf %get3A_1, %get3A_1 : vector<1024x512xf32>
    %reduce_sum3A = arith.constant dense<0.000000e+00> : vector<1024xf32>
    %reduce_sum3A_6 = vector.multi_reduction <add>, %mul3A, %reduce_sum3A [1] : vector<1024x512xf32> to vector<1024xf32>
    %broadcast_in_dim3A = vector.shape_cast %reduce_sum3A_6 : vector<1024xf32> to vector<1024x1xf32>
    %get3A_7 = arith.constant 0 : index
    %get3A_8 = arith.constant 0 : index
    %get3A_9 = vector.load %arg2[%get3A_7, %get3A_8] : memref<1x512xf32, #tpu.memory_space<vmem>>, vector<1x512xf32>
    %add3A = vector.broadcast %broadcast_in_dim3A : vector<1024x1xf32> to vector<1024x512xf32>
    %add3A_10 = vector.broadcast %get3A_9 : vector<1x512xf32> to vector<1024x512xf32>
    %add3A_11 = arith.addf %add3A, %add3A_10 : vector<1024x512xf32>
    %mul3A_12 = arith.constant 2.000000e+00 : f32
    %mul3A_13 = vector.broadcast %mul3A_12 : f32 to vector<1024x512xf32>
    %mul3A_14 = arith.mulf %mul3A_13, %dot_general3A_5 : vector<1024x512xf32>
    %sub3A = arith.subf %add3A_11, %mul3A_14 : vector<1024x512xf32>
    %reduce_min3A = arith.constant dense<0x7F800000> : vector<1024xf32>
    %reduce_min3A_15 = vector.multi_reduction <minimumf>, %sub3A, %reduce_min3A [1] : vector<1024x512xf32> to vector<1024xf32>
    %broadcast_in_dim3A_16 = vector.shape_cast %reduce_min3A_15 : vector<1024xf32> to vector<1024x1xf32>
    %iota3A = tpu.iota {dimensions = array<i32: 1>} : vector<1024x512xi32>
    %eq3A = vector.broadcast %broadcast_in_dim3A_16 : vector<1024x1xf32> to vector<1024x512xf32>
    %eq3A_17 = arith.cmpf oeq, %sub3A, %eq3A : vector<1024x512xf32>
    %jit3A = arith.constant 512 : i32
    %broadcast_in_dim3A_18 = vector.broadcast %jit3A : i32 to vector<1024x512xi32>
    %select_n3A = arith.select %eq3A_17, %iota3A, %broadcast_in_dim3A_18 : vector<1024x512xi1>, vector<1024x512xi32>
    %reduce_min3A_19 = arith.constant dense<2147483647> : vector<1024xi32>
    %reduce_min3A_20 = vector.multi_reduction <minsi>, %select_n3A, %reduce_min3A_19 [1] : vector<1024x512xi32> to vector<1024xi32>
    %broadcast_in_dim3A_21 = vector.shape_cast %reduce_min3A_20 : vector<1024xi32> to vector<1024x1xi32>
    %iota3A_22 = tpu.iota {dimensions = array<i32: 0>} : vector<1024x1xi32>
    %mul3A_23 = arith.constant 1024 : i32
    %mul3A_24 = vector.broadcast %mul3A_23 : i32 to vector<1024x1xi32>
    %mul3A_25 = arith.muli %iota3A_22, %mul3A_24 : vector<1024x1xi32>
    %add3A_26 = arith.addi %mul3A_25, %broadcast_in_dim3A_21 : vector<1024x1xi32>
    %swap3A = arith.constant 0 : index
    %swap3A_27 = arith.constant 0 : index
    %swap3A_28 = vector.load %arg3[%swap3A, %swap3A_27] : memref<1024x1xi32, #tpu.memory_space<vmem>>, vector<1024x1xi32>
    tpu.vector_store %arg3[%swap3A, %swap3A_27], %add3A_26 {strides = array<i32>} : memref<1024x1xi32, #tpu.memory_space<vmem>>, vector<1024x1xi32>,
    %swap3A_29 = arith.constant 0 : index
    %swap3A_30 = arith.constant 0 : index
    %swap3A_31 = vector.load %arg4[%swap3A_29, %swap3A_30] : memref<1024x1xf32, #tpu.memory_space<vmem>>, vector<1024x1xf32>
    tpu.vector_store %arg4[%swap3A_29, %swap3A_30], %broadcast_in_dim3A_16 {strides = array<i32>} : memref<1024x1xf32, #tpu.memory_space<vmem>>, vector<1024x1xf32>,
    return
  }
}

module attributes {stable_mosaic.version = 14 : i64} {
  func.func @_stage1_body(%arg0: i32, %arg1: memref<256x256xf32, #tpu.memory_space<vmem>>, %arg2: memref<256x256xf32, #tpu.memory_space<vmem>>, %arg3: memref<1024x512xf32, #tpu.memory_space<vmem>>, %arg4: memref<1x1024xf32, #tpu.memory_space<vmem>>, %arg5: memref<1x1024xi32, #tpu.memory_space<vmem>>, %arg6: memref<1x1024xf32, #tpu.memory_space<vmem>>, %arg7: memref<1x2x128xi32, #tpu.memory_space<vmem>>, %arg8: memref<1x2x128xi32, #tpu.memory_space<vmem>>, %arg9: memref<1x2x128xf32, #tpu.memory_space<vmem>>, %arg10: memref<1x2x128xf32, #tpu.memory_space<vmem>>, %arg11: memref<1x2x128xf32, #tpu.memory_space<vmem>>) attributes {dimension_semantics = [#tpu.dimension_semantics<parallel>], iteration_bounds = array<i64: 72>, scalar_prefetch = 0 : i64, scratch_operands = 0 : i64, tpu.core_type = #tpu.core_type<tc>, window_params = [{transform_indices = @transform_0, window_bounds = array<i64: 256, 256>}, {transform_indices = @transform_1, window_bounds = array<i64: 256, 256>}, {pipeline_mode = #tpu.pipeline_mode<synchronous>, transform_indices = @transform_2, window_bounds = array<i64: 1024, 512>}, {pipeline_mode = #tpu.pipeline_mode<synchronous>, transform_indices = @transform_3, window_bounds = array<i64: 1, 1024>}, {pipeline_mode = #tpu.pipeline_mode<synchronous>, transform_indices = @transform_4, window_bounds = array<i64: 1, 1024>}, {pipeline_mode = #tpu.pipeline_mode<synchronous>, transform_indices = @transform_5, window_bounds = array<i64: 1, 1024>}, {transform_indices = @transform_6, window_bounds = array<i64: 1, 2, 128>}, {transform_indices = @transform_7, window_bounds = array<i64: 1, 2, 128>}, {transform_indices = @transform_8, window_bounds = array<i64: 1, 2, 128>}, {transform_indices = @transform_9, window_bounds = array<i64: 1, 2, 128>}, {transform_indices = @transform_10, window_bounds = array<i64: 1, 2, 128>}]} {
    %get3A = arith.constant 0 : index
    %get3A_0 = arith.constant 0 : index
    %get3A_1 = vector.load %arg1[%get3A, %get3A_0] : memref<256x256xf32, #tpu.memory_space<vmem>>, vector<256x256xf32>
    %get3A_2 = arith.constant 0 : index
    %get3A_3 = arith.constant 0 : index
    %get3A_4 = vector.load %arg2[%get3A_2, %get3A_3] : memref<256x256xf32, #tpu.memory_space<vmem>>, vector<256x256xf32>
    %concatenate3A = tpu.concatenate %get3A_1, %get3A_4 in 1 : vector<256x256xf32>, vector<256x256xf32> -> vector<256x512xf32>
    %get3A_5 = arith.constant 0 : index
    %get3A_6 = arith.constant 0 : index
    %get3A_7 = vector.load %arg3[%get3A_5, %get3A_6] : memref<1024x512xf32, #tpu.memory_space<vmem>>, vector<1024x512xf32>
    %dot_general3A = arith.constant dense<0.000000e+00> : vector<256x1024xf32>
    %dot_general3A_8 = tpu.matmul %concatenate3A, %get3A_7, %dot_general3A {dimension_numbers = #tpu.dot_dimension_numbers<[1], [1], [0], [0], [0, 0, 1, 0], [], []>, transpose_lhs_hint = false} : vector<256x512xf32>, vector<1024x512xf32>, vector<256x1024xf32> -> vector<256x1024xf32>
    %mul3A = arith.mulf %concatenate3A, %concatenate3A : vector<256x512xf32>
    %reduce_sum3A = arith.constant dense<0.000000e+00> : vector<256xf32>
    %reduce_sum3A_9 = vector.multi_reduction <add>, %mul3A, %reduce_sum3A [1] : vector<256x512xf32> to vector<256xf32>
    %broadcast_in_dim3A = vector.shape_cast %reduce_sum3A_9 : vector<256xf32> to vector<256x1xf32>
    %get3A_10 = arith.constant 0 : index
    %get3A_11 = arith.constant 0 : index
    %get3A_12 = vector.load %arg4[%get3A_10, %get3A_11] : memref<1x1024xf32, #tpu.memory_space<vmem>>, vector<1x1024xf32>
    %add3A = vector.broadcast %broadcast_in_dim3A : vector<256x1xf32> to vector<256x1024xf32>
    %add3A_13 = vector.broadcast %get3A_12 : vector<1x1024xf32> to vector<256x1024xf32>
    %add3A_14 = arith.addf %add3A, %add3A_13 : vector<256x1024xf32>
    %mul3A_15 = arith.constant 2.000000e+00 : f32
    %mul3A_16 = vector.broadcast %mul3A_15 : f32 to vector<256x1024xf32>
    %mul3A_17 = arith.mulf %mul3A_16, %dot_general3A_8 : vector<256x1024xf32>
    %sub3A = arith.subf %add3A_14, %mul3A_17 : vector<256x1024xf32>
    %reduce_min3A = arith.constant dense<0x7F800000> : vector<256xf32>
    %reduce_min3A_18 = vector.multi_reduction <minimumf>, %sub3A, %reduce_min3A [1] : vector<256x1024xf32> to vector<256xf32>
    %broadcast_in_dim3A_19 = vector.shape_cast %reduce_min3A_18 : vector<256xf32> to vector<256x1xf32>
    %eq3A = vector.broadcast %broadcast_in_dim3A_19 : vector<256x1xf32> to vector<256x1024xf32>
    %eq3A_20 = arith.cmpf oeq, %sub3A, %eq3A : vector<256x1024xf32>
    %get3A_21 = arith.constant 0 : index
    %get3A_22 = arith.constant 0 : index
    %get3A_23 = vector.load %arg5[%get3A_21, %get3A_22] : memref<1x1024xi32, #tpu.memory_space<vmem>>, vector<1x1024xi32>
    %jit3A = arith.constant 1048576 : i32
    %broadcast_in_dim3A_24 = vector.shape_cast %get3A_23 : vector<1x1024xi32> to vector<1x1024xi32>
    %broadcast_in_dim3A_25 = vector.broadcast %broadcast_in_dim3A_24 : vector<1x1024xi32> to vector<256x1024xi32>
    %broadcast_in_dim3A_26 = vector.broadcast %jit3A : i32 to vector<256x1024xi32>
    %select_n3A = arith.select %eq3A_20, %broadcast_in_dim3A_25, %broadcast_in_dim3A_26 : vector<256x1024xi1>, vector<256x1024xi32>
    %reduce_min3A_27 = arith.constant dense<2147483647> : vector<256xi32>
    %reduce_min3A_28 = vector.multi_reduction <minsi>, %select_n3A, %reduce_min3A_27 [1] : vector<256x1024xi32> to vector<256xi32>
    %broadcast_in_dim3A_29 = vector.shape_cast %reduce_min3A_28 : vector<256xi32> to vector<256x1xi32>
    %eq3A_30 = vector.broadcast %broadcast_in_dim3A_19 : vector<256x1xf32> to vector<256x1024xf32>
    %eq3A_31 = arith.cmpf oeq, %sub3A, %eq3A_30 : vector<256x1024xf32>
    %get3A_32 = arith.constant 0 : index
    %get3A_33 = arith.constant 0 : index
    %get3A_34 = vector.load %arg6[%get3A_32, %get3A_33] : memref<1x1024xf32, #tpu.memory_space<vmem>>, vector<1x1024xf32>
    %jit3A_35 = arith.constant 0x7F800000 : f32
    %broadcast_in_dim3A_36 = vector.shape_cast %get3A_34 : vector<1x1024xf32> to vector<1x1024xf32>
    %broadcast_in_dim3A_37 = vector.broadcast %broadcast_in_dim3A_36 : vector<1x1024xf32> to vector<256x1024xf32>
    %broadcast_in_dim3A_38 = vector.broadcast %jit3A_35 : f32 to vector<256x1024xf32>
    %select_n3A_39 = arith.select %eq3A_31, %broadcast_in_dim3A_37, %broadcast_in_dim3A_38 : vector<256x1024xi1>, vector<256x1024xf32>
    %reduce_min3A_40 = arith.constant dense<0x7F800000> : vector<256xf32>
    %reduce_min3A_41 = vector.multi_reduction <minimumf>, %select_n3A_39, %reduce_min3A_40 [1] : vector<256x1024xf32> to vector<256xf32>
    %broadcast_in_dim3A_42 = vector.shape_cast %reduce_min3A_41 : vector<256xf32> to vector<256x1xf32>
    %shift_right_logical3A = arith.constant 10 : i32
    %shift_right_logical3A_43 = vector.broadcast %shift_right_logical3A : i32 to vector<256x1xi32>
    %shift_right_logical3A_44 = arith.shrui %broadcast_in_dim3A_29, %shift_right_logical3A_43 : vector<256x1xi32>
    %reshape3A = vector.shape_cast %shift_right_logical3A_44 : vector<256x1xi32> to vector<1x2x128xi32>
    %swap3A = arith.constant 0 : index
    %swap3A_45 = arith.constant 0 : index
    %swap3A_46 = arith.constant 0 : index
    %swap3A_47 = vector.load %arg7[%swap3A, %swap3A_45, %swap3A_46] : memref<1x2x128xi32, #tpu.memory_space<vmem>>, vector<1x2x128xi32>
    tpu.vector_store %arg7[%swap3A, %swap3A_45, %swap3A_46], %reshape3A {strides = array<i32>} : memref<1x2x128xi32, #tpu.memory_space<vmem>>, vector<1x2x128xi32>,
    %and3A = arith.constant 1023 : i32
    %and3A_48 = vector.broadcast %and3A : i32 to vector<256x1xi32>
    %and3A_49 = arith.andi %broadcast_in_dim3A_29, %and3A_48 : vector<256x1xi32>
    %reshape3A_50 = vector.shape_cast %and3A_49 : vector<256x1xi32> to vector<1x2x128xi32>
    %swap3A_51 = arith.constant 0 : index
    %swap3A_52 = arith.constant 0 : index
    %swap3A_53 = arith.constant 0 : index
    %swap3A_54 = vector.load %arg8[%swap3A_51, %swap3A_52, %swap3A_53] : memref<1x2x128xi32, #tpu.memory_space<vmem>>, vector<1x2x128xi32>
    tpu.vector_store %arg8[%swap3A_51, %swap3A_52, %swap3A_53], %reshape3A_50 {strides = array<i32>} : memref<1x2x128xi32, #tpu.memory_space<vmem>>, vector<1x2x128xi32>,
    %reshape3A_55 = vector.shape_cast %broadcast_in_dim3A_19 : vector<256x1xf32> to vector<1x2x128xf32>
    %swap3A_56 = arith.constant 0 : index
    %swap3A_57 = arith.constant 0 : index
    %swap3A_58 = arith.constant 0 : index
    %swap3A_59 = vector.load %arg9[%swap3A_56, %swap3A_57, %swap3A_58] : memref<1x2x128xf32, #tpu.memory_space<vmem>>, vector<1x2x128xf32>
    tpu.vector_store %arg9[%swap3A_56, %swap3A_57, %swap3A_58], %reshape3A_55 {strides = array<i32>} : memref<1x2x128xf32, #tpu.memory_space<vmem>>, vector<1x2x128xf32>,
    %add3A_60 = arith.constant 1.000000e+00 : f32
    %add3A_61 = vector.broadcast %add3A_60 : f32 to vector<256x1xf32>
    %add3A_62 = arith.addf %add3A_61, %broadcast_in_dim3A_19 : vector<256x1xf32>
    %div3A = arith.constant 1.000000e+00 : f32
    %div3A_63 = vector.broadcast %div3A : f32 to vector<256x1xf32>
    %div3A_64 = arith.divf %div3A_63, %add3A_62 : vector<256x1xf32>
    %reshape3A_65 = vector.shape_cast %div3A_64 : vector<256x1xf32> to vector<1x2x128xf32>
    %swap3A_66 = arith.constant 0 : index
    %swap3A_67 = arith.constant 0 : index
    %swap3A_68 = arith.constant 0 : index
    %swap3A_69 = vector.load %arg10[%swap3A_66, %swap3A_67, %swap3A_68] : memref<1x2x128xf32, #tpu.memory_space<vmem>>, vector<1x2x128xf32>
    tpu.vector_store %arg10[%swap3A_66, %swap3A_67, %swap3A_68], %reshape3A_65 {strides = array<i32>} : memref<1x2x128xf32, #tpu.memory_space<vmem>>, vector<1x2x128xf32>,
    %reshape3A_70 = vector.shape_cast %broadcast_in_dim3A_42 : vector<256x1xf32> to vector<1x2x128xf32>
    %swap3A_71 = arith.constant 0 : index
    %swap3A_72 = arith.constant 0 : index
    %swap3A_73 = arith.constant 0 : index
    %swap3A_74 = vector.load %arg11[%swap3A_71, %swap3A_72, %swap3A_73] : memref<1x2x128xf32, #tpu.memory_space<vmem>>, vector<1x2x128xf32>
    tpu.vector_store %arg11[%swap3A_71, %swap3A_72, %swap3A_73], %reshape3A_70 {strides = array<i32>} : memref<1x2x128xf32, #tpu.memory_space<vmem>>, vector<1x2x128xf32>,
    return
  }
  func.func @transform_0(%arg0: i32) -> (i32, i32) {
    %c0_i32 = arith.constant 0 : i32
    %c0_i32_0 = arith.constant 0 : i32
    return %arg0, %c0_i32 : i32, i32
  }
  func.func @transform_1(%arg0: i32) -> (i32, i32) {
    %c0_i32 = arith.constant 0 : i32
    %c0_i32_0 = arith.constant 0 : i32
    return %arg0, %c0_i32 : i32, i32
  }
  func.func @transform_2(%arg0: i32) -> (i32, i32) {
    %c0_i32 = arith.constant 0 : i32
    %c0_i32_0 = arith.constant 0 : i32
    %c0_i32_1 = arith.constant 0 : i32
    return %c0_i32, %c0_i32_0 : i32, i32
  }
  func.func @transform_3(%arg0: i32) -> (i32, i32) {
    %c0_i32 = arith.constant 0 : i32
    %c0_i32_0 = arith.constant 0 : i32
    %c0_i32_1 = arith.constant 0 : i32
    return %c0_i32, %c0_i32_0 : i32, i32
  }
  func.func @transform_4(%arg0: i32) -> (i32, i32) {
    %c0_i32 = arith.constant 0 : i32
    %c0_i32_0 = arith.constant 0 : i32
    %c0_i32_1 = arith.constant 0 : i32
    return %c0_i32, %c0_i32_0 : i32, i32
  }
  func.func @transform_5(%arg0: i32) -> (i32, i32) {
    %c0_i32 = arith.constant 0 : i32
    %c0_i32_0 = arith.constant 0 : i32
    %c0_i32_1 = arith.constant 0 : i32
    return %c0_i32, %c0_i32_0 : i32, i32
  }
  func.func @transform_6(%arg0: i32) -> (i32, i32, i32) {
    %c0_i32 = arith.constant 0 : i32
    %c0_i32_0 = arith.constant 0 : i32
    %c0_i32_1 = arith.constant 0 : i32
    return %arg0, %c0_i32, %c0_i32_0 : i32, i32, i32
  }
  func.func @transform_7(%arg0: i32) -> (i32, i32, i32) {
    %c0_i32 = arith.constant 0 : i32
    %c0_i32_0 = arith.constant 0 : i32
    %c0_i32_1 = arith.constant 0 : i32
    return %arg0, %c0_i32, %c0_i32_0 : i32, i32, i32
  }
  func.func @transform_8(%arg0: i32) -> (i32, i32, i32) {
    %c0_i32 = arith.constant 0 : i32
    %c0_i32_0 = arith.constant 0 : i32
    %c0_i32_1 = arith.constant 0 : i32
    return %arg0, %c0_i32, %c0_i32_0 : i32, i32, i32
  }
  func.func @transform_9(%arg0: i32) -> (i32, i32, i32) {
    %c0_i32 = arith.constant 0 : i32
    %c0_i32_0 = arith.constant 0 : i32
    %c0_i32_1 = arith.constant 0 : i32
    return %arg0, %c0_i32, %c0_i32_0 : i32, i32, i32
  }
  func.func @transform_10(%arg0: i32) -> (i32, i32, i32) {
    %c0_i32 = arith.constant 0 : i32
    %c0_i32_0 = arith.constant 0 : i32
    %c0_i32_1 = arith.constant 0 : i32
    return %arg0, %c0_i32, %c0_i32_0 : i32, i32, i32
  }
}

module attributes {stable_mosaic.version = 14 : i64} {
  func.func @_onehot_body(%arg0: i32, %arg1: memref<512x1xi32, #tpu.memory_space<vmem>>, %arg2: memref<512x1xi32, #tpu.memory_space<vmem>>, %arg3: memref<512x1024xf32, #tpu.memory_space<vmem>>, %arg4: memref<512x512xf32, #tpu.memory_space<vmem>>) attributes {dimension_semantics = [#tpu.dimension_semantics<parallel>], iteration_bounds = array<i64: 36>, scalar_prefetch = 0 : i64, scratch_operands = 0 : i64, tpu.core_type = #tpu.core_type<tc>, window_params = [{transform_indices = @transform_0, window_bounds = array<i64: 512, 1>}, {transform_indices = @transform_1, window_bounds = array<i64: 512, 1>}, {transform_indices = @transform_2, window_bounds = array<i64: 512, 1024>}, {transform_indices = @transform_3, window_bounds = array<i64: 512, 512>}]} {
    %iota3A = tpu.iota {dimensions = array<i32: 1>} : vector<512x1024xi32>
    %get3A = arith.constant 0 : index
    %get3A_0 = arith.constant 0 : index
    %get3A_1 = vector.load %arg1[%get3A, %get3A_0] : memref<512x1xi32, #tpu.memory_space<vmem>>, vector<512x1xi32>
    %eq3A = vector.broadcast %get3A_1 : vector<512x1xi32> to vector<512x1024xi32>
    %eq3A_2 = arith.cmpi eq, %iota3A, %eq3A : vector<512x1024xi32>
    %convert_element_type3A = arith.extui %eq3A_2 : vector<512x1024xi1> to vector<512x1024xi32>
    %convert_element_type3A_3 = arith.sitofp %convert_element_type3A : vector<512x1024xi32> to vector<512x1024xf32>
    %swap3A = arith.constant 0 : index
    %swap3A_4 = arith.constant 0 : index
    %swap3A_5 = vector.load %arg3[%swap3A, %swap3A_4] : memref<512x1024xf32, #tpu.memory_space<vmem>>, vector<512x1024xf32>
    tpu.vector_store %arg3[%swap3A, %swap3A_4], %convert_element_type3A_3 {strides = array<i32>} : memref<512x1024xf32, #tpu.memory_space<vmem>>, vector<512x1024xf32>,
    %iota3A_6 = tpu.iota {dimensions = array<i32: 1>} : vector<512x512xi32>
    %get3A_7 = arith.constant 0 : index
    %get3A_8 = arith.constant 0 : index
    %get3A_9 = vector.load %arg2[%get3A_7, %get3A_8] : memref<512x1xi32, #tpu.memory_space<vmem>>, vector<512x1xi32>
    %eq3A_10 = vector.broadcast %get3A_9 : vector<512x1xi32> to vector<512x512xi32>
    %eq3A_11 = arith.cmpi eq, %iota3A_6, %eq3A_10 : vector<512x512xi32>
    %convert_element_type3A_12 = arith.extui %eq3A_11 : vector<512x512xi1> to vector<512x512xi32>
    %convert_element_type3A_13 = arith.sitofp %convert_element_type3A_12 : vector<512x512xi32> to vector<512x512xf32>
    %swap3A_14 = arith.constant 0 : index
    %swap3A_15 = arith.constant 0 : index
    %swap3A_16 = vector.load %arg4[%swap3A_14, %swap3A_15] : memref<512x512xf32, #tpu.memory_space<vmem>>, vector<512x512xf32>
    tpu.vector_store %arg4[%swap3A_14, %swap3A_15], %convert_element_type3A_13 {strides = array<i32>} : memref<512x512xf32, #tpu.memory_space<vmem>>, vector<512x512xf32>,
    return
  }
  func.func @transform_0(%arg0: i32) -> (i32, i32) {
    %c0_i32 = arith.constant 0 : i32
    %c0_i32_0 = arith.constant 0 : i32
    return %arg0, %c0_i32 : i32, i32
  }
  func.func @transform_1(%arg0: i32) -> (i32, i32) {
    %c0_i32 = arith.constant 0 : i32
    %c0_i32_0 = arith.constant 0 : i32
    return %arg0, %c0_i32 : i32, i32
  }
  func.func @transform_2(%arg0: i32) -> (i32, i32) {
    %c0_i32 = arith.constant 0 : i32
    %c0_i32_0 = arith.constant 0 : i32
    return %arg0, %c0_i32 : i32, i32
  }
  func.func @transform_3(%arg0: i32) -> (i32, i32) {
    %c0_i32 = arith.constant 0 : i32
    %c0_i32_0 = arith.constant 0 : i32
    return %arg0, %c0_i32 : i32, i32
  }
}

</mosaic_0001>

<sc_bundles>
// kernel: kernel.6.cloned.1.call-start
scs
__scs_entry_jumppad:
0x0: {  	(pc) =	sbr.rel $0x88, $3  }
0x1: {  	(tag) =	ssettag $0x0;
	lr =	simm.s32 $0x1  }
0x2: {  	[smem:$0x3F9D] =	sst lr;
	_ =	strace $0xD0000000  }
0x3: {  	_ = 	snop  }
0x4: {  	_ = 	snop  }
0x5: {  	_ = 	snop  }
0x6: {  	_ = 	snop  }
0x7: {  	_ = 	snop  }
__scs_overlays_trampoline_lowered:
0x8: {  	[smem:$0x3FAC] =	sst s0  }
0x9: {  	[smem:$0x3FAD] =	sst s1  }
0xa: {  	[smem:$0x3FAE] =	sst s2  }
0xb: {  	[smem:$0x3FAF] =	sst s3  }
0xc: {  	[smem:$0x3FB0] =	sst s4  }
0xd: {  	[smem:$0x3FB1] =	sst s5  }
0xe: {  	[smem:$0x3FB2] =	sst s6  }
0xf: {  	[smem:$0x3FB3] =	sst s7  }
0x10: {  	[smem:$0x3FB4] =	sst s8  }
0x11: {  	[smem:$0x3FB5] =	sst s9;
	s0 =	simm.s32 @!p0 $0x0  }
0x12: {  	s1 =	sld [smem:$0x3F9B];
	s0 =	simm.s32 @p0 $0x1  }
0x13: {  	[smem:$0x3FB6] =	sst s0;
	s0 =	simm.s32 @!p1 $0x0  }
0x14: {  	s2 =	sld [smem:$0x3F9A];
	s0 =	simm.s32 @p1 $0x1  }
0x15: {  	[smem:$0x3FB7] =	sst s0;
	s0 =	simm.s32 @!p2 $0x0  }
0x16: {  	s3 =	sld [smem:$0x3FDB];
	s0 =	simm.s32 @p2 $0x1  }
0x17: {  	s4 =	simm.s32 $0x1BF5;
	[smem:$0x3FB9] =	sst s0  }
0x18: {  	s0 =	sld [smem:$0x3F9C];
	_ =	swait.ge [sflag:s4], $0x0  }
0x19: {  	s7 =	sld [smem:$0x3F9D]  }
0x1a: {  	s8 =	sadd.s32 $0xFFFFE003, lr  }
0x1b: {  	s9 =	sadd.s32 $0xFFFFFEF7, lr;
	s5 =	simm.s32 $0xFFFFFFFF;
	p2 =	slt.u32 s8, $0xFFFFF086  }
0x1c: {  	p1 =	slt.u32 s9, $0xF7A;
	s5 =	simm.s32 @!p2 $0x0  }
0x1d: {  	s5 =	simm.s32 @p1 $0x1;
	p0 =	seq.s32 s7, s2  }
0x1e: {  	s7 =	smul.u32 @!p0 $0xF7A, s2;
	p2 =	seq.s32 @!p0 s5, $0x0  }
0x1f: {  	s9 =	smul.u32 $0xF7A, s1;
	s8 =	simm.s32 @!p0 $0x1BF5;
	p2 =	por !p2, p0  }
0x20: {  	[sflag:s8] =	ssyncset.s32 @!p0 $0xFFFFF086;
	s6 =	sadd.s32 @!p0 s3, s7;
	s7 =	simm.s32 @!p0 $0x108  }
0x21: {  	s3 =	sadd.s32 s3, s9;
	s6 =	sadd.s32 @!p0 $0x88, s6;
	s7 =	simm.s32 @p2 $0x1082  }
0x22: {  	[simem:s7], [sflag:s8] =	dma.local @!p0 [hbm:s6], $0xF7A  }
0x23: {  	s9 =	sor.u32 $0xD0000000, s2;
	s6 =	simm.s32 $0x108;
	_ =	swait.ge @!p0 [sflag:s8], $0x0  }
0x24: {  	s3 =	sadd.s32 $0x88, s3;
	s6 =	simm.s32 @!p1 $0x1082;
	[sflag:s4] =	ssyncset.s32 $0xFFFFF086  }
0x25: {  	[simem:s6], [sflag:s4] =	dma.local [hbm:s3], $0xF7A  }
0x26: {  	[smem:$0x3F9D] =	sst s1;
	(tag) =	ssettag s2;
	_ =	strace s9  }
0x27: {  	s1 =	sld [smem:$0x3FAD]  }
0x28: {  	s2 =	sld [smem:$0x3FAE]  }
0x29: {  	s4 =	sld [smem:$0x3FB0]  }
0x2a: {  	p0 =	seq.s32 s5, $0x0;
	s5 =	sld [smem:$0x3FB1]  }
0x2b: {  	s6 =	sld [smem:$0x3FB2]  }
0x2c: {  	s7 =	sld [smem:$0x3FB3]  }
0x2d: {  	s3 =	simm.s32 $0x108;
	s8 =	sld [smem:$0x3FB4]  }
0x2e: {  	s3 =	simm.s32 @!p0 $0x1082;
	s9 =	sld [smem:$0x3FB5]  }
0x2f: {  	lr =	sadd.s32 s0, s3;
	s0 =	sld [smem:$0x3FAC]  }
0x30: {  	s3 =	sld [smem:$0x3FAF]  }
0x31: {  	[smem:$0x3FB8] =	sst s10  }
0x32: {  	s10 =	sld [smem:$0x3FB6];
	_ =	sdelay $0x3  }
0x33: {  	p0 =	seq.s32 s10, $0x1;
	s10 =	sld [smem:$0x3FB8];
	_ =	sdelay $0x3  }
0x34: {  	[smem:$0x3FB8] =	sst s10  }
0x35: {  	s10 =	sld [smem:$0x3FB7];
	_ =	sdelay $0x3  }
0x36: {  	p1 =	seq.s32 s10, $0x1;
	s10 =	sld [smem:$0x3FB8];
	_ =	sdelay $0x3  }
0x37: {  	[smem:$0x3FB8] =	sst s10  }
0x38: {  	s10 =	sld [smem:$0x3FB9]  }
0x39: {  	_ = 	snop;
	(pc) =	sbr.ind lr, $3  }
0x3a: {  	_ = 	snop  }
0x3b: {  	_ = 	snop  }
0x3c: {  	p2 =	seq.s32 s10, $0x1;
	s10 =	sld [smem:$0x3FB8]  }
0x3d: {  	_ =	shalt  }
0x3e: {  	_ =	shalt  }
0x3f: {  	_ =	shalt  }
0x40: {  	_ =	shalt  }
0x41: {  	_ =	shalt  }
0x42: {  	_ =	shalt  }
0x43: {  	_ =	shalt  }
0x44: {  	_ =	shalt  }
0x45: {  	_ =	shalt  }
0x46: {  	_ =	shalt  }
0x47: {  	_ =	shalt  }
0x48: {  	_ =	shalt  }
0x49: {  	_ =	shalt  }
0x4a: {  	_ =	shalt  }
0x4b: {  	_ =	shalt  }
0x4c: {  	_ =	shalt  }
0x4d: {  	_ =	shalt  }
0x4e: {  	_ =	shalt  }
0x4f: {  	_ =	shalt  }
0x50: {  	_ =	shalt  }
0x51: {  	_ =	shalt  }
0x52: {  	_ =	shalt  }
0x53: {  	_ =	shalt  }
0x54: {  	_ =	shalt  }
0x55: {  	_ =	shalt  }
0x56: {  	_ =	shalt  }
0x57: {  	_ =	shalt  }
0x58: {  	_ =	shalt  }
0x59: {  	_ =	shalt  }
0x5a: {  	_ =	shalt  }
0x5b: {  	_ =	shalt  }
0x5c: {  	_ =	shalt  }
0x5d: {  	_ =	shalt  }
0x5e: {  	_ =	shalt  }
0x5f: {  	_ =	shalt  }
0x60: {  	_ =	shalt  }
0x61: {  	_ =	shalt  }
0x62: {  	_ =	shalt  }
0x63: {  	_ =	shalt  }
0x64: {  	_ =	shalt  }
0x65: {  	_ =	shalt  }
0x66: {  	_ =	shalt  }
0x67: {  	_ =	shalt  }
0x68: {  	_ =	shalt  }
0x69: {  	_ =	shalt  }
0x6a: {  	_ =	shalt  }
0x6b: {  	_ =	shalt  }
0x6c: {  	_ =	shalt  }
0x6d: {  	_ =	shalt  }
0x6e: {  	_ =	shalt  }
0x6f: {  	_ =	shalt  }
0x70: {  	_ =	shalt  }
0x71: {  	_ =	shalt  }
0x72: {  	_ =	shalt  }
0x73: {  	_ =	shalt  }
0x74: {  	_ =	shalt  }
0x75: {  	_ =	shalt  }
0x76: {  	_ =	shalt  }
0x77: {  	_ =	shalt  }
0x78: {  	_ =	shalt  }
0x79: {  	_ =	shalt  }
0x7a: {  	_ =	shalt  }
0x7b: {  	_ =	shalt  }
0x7c: {  	_ =	shalt  }
0x7d: {  	_ =	shalt  }
0x7e: {  	_ =	shalt  }
0x7f: {  	_ =	shalt  }
0x80: {  	_ =	shalt  }
0x81: {  	_ =	shalt  }
0x82: {  	_ =	shalt  }
0x83: {  	_ =	shalt  }
0x84: {  	_ =	shalt  }
0x85: {  	_ =	shalt  }
0x86: {  	_ =	shalt  }
0x87: {  	_ =	shalt  }
.Lfunc_end0:
.L_simem_size_0:
called_computation_lowered:
.L_overlay_start_0:
0x88: {  	s2 =	sld [smem:$0x3FD9]  }
0x89: {  	s3 =	sld [smem:$0x3FFE];
	_ =	sdelay $0x1  }
0x8a: {  	s1 =	srdreg.scid  }
0x8b: {  	s0 =	sand.u32 $0x1, s1  }
0x8c: {  	s14 =	sshll.u32 s0, $0xA;
	s2 =	sadd.s32 s3, s2  }
0x8d: {  	s2 =	sadd.s32 s2, s14  }
0x8e: {  	[smem:$0x3FC4] =	sst s2  }
0x8f: {  	_ = 	snop  }
0x90: {  	s2 =	sld [smem:$0x3FD0];
	_ =	sdelay $0x2  }
0x91: {  	s4 =	simm.s32 $0xA;
	s5 =	simm.s32 $0x10;
	s15 =	sld [smem:$0x3FC7]  }
0x92: {  	[smem:s5], [sflag:s4] =	dma.local [hbm:s2], $0x1  }
0x93: {  	_ =	swait.eq [sflag:s4], $0x1  }
0x94: {  	[sflag:s4] =	ssyncset.done $0x0  }
0x95: {  	[sflag:s4] =	ssyncadd.s32 $0xFFFFFFFF  }
0x96: {  	s16 =	sld [smem:$0x10];
	(tm) =	ssettm $0x1  }
0x97: {  	s17 =	sld [smem:$0x3FFB];
	_ =	sdelay $0x3  }
0x98: {  	_ =	strace s17  }
0x99: {  	s4 =	sld [smem:$0x3FFC];
	_ =	sdelay $0x3  }
0x9a: {  	_ =	strace s4  }
0x9b: {  	s4 =	sld [smem:$0x3FFD];
	_ =	sdelay $0x3  }
0x9c: {  	_ =	strace s4  }
0x9d: {  	_ =	strace $0x8FFFFFFF  }
0x9e: {  	s18 =	sld [smem:$0x3FDB];
	_ =	sdelay $0x1  }
0x9f: {  	s19 =	simm.s32 $_scs_section_size  }
0xa0: {  	s6 =	simm.s32 $_size__tile_overlayer_lowered;
	s7 =	simm.s32 $_tile_overlayer_lowered  }
0xa1: {  	s22 =	simm.s32 $0x1BFF;
	s21 =	sshll.u32 s7, $0x1;
	s4 =	sadd.s32 s19, s18  }
0xa2: {  	s8 =	simm.s32 $0x0;
	s20 =	sshll.u32 s6, $0x1;
	s6 =	sadd.s32 s21, s4  }
0xa3: {  	[timem:s8], [sflag:s22] =	dma.local [hbm:s6], s20  }
0xa4: {  	_ =	swait.ge [sflag:s22], s20  }
0xa5: {  	s5 =	ssub.s32 $0x0, s20;
	[sflag:s22] =	ssyncset.done $0x0  }
0xa6: {  	[sflag:s22] =	ssyncadd.s32 s5;
	_ =	sdelay $0x1  }
0xa7: {  	s23 =	simm.s32 $0x1B8B  }
0xa8: {  	_ =	swait.ge [sflag:s23], $0x1  }
0xa9: {  	[sflag:s23] =	ssyncset.done $0x0  }
0xaa: {  	s25 =	simm.s32 $0x1B8E;
	s24 =	sld [smem:$0x3FFE];
	[sflag:s23] =	ssyncadd.s32 $0xFFFFFFFF  }
0xab: {  	s26 =	simm.s32 $execute0_lowered;
	[smem:$0x3FD2] =	sst s25  }
0xac: {  	s6 =	sshll.u32 s26, $0x1;
	_ =	strace $0x80000046;
	[dreg:$0x1] =	wrdreg $0xFFFFFFFF  }
0xad: {  	s28 =	simm.s32 $_size_execute0_lowered;
	s4 =	sadd.s32 s4, s6;
	[dreg:$0x0] =	wrdreg $0x0  }
0xae: {  	s6 =	sshll.u32 s28, $0x1;
	[dreg:$0x2] =	wrdreg s4  }
0xaf: {  	[dreg:$0x3] =	wrdreg s6  }
0xb0: {  	[dreg:$0x4] =	wrdreg $0xC0  }
0xb1: {  	_ =	task [dreg:s8], $0x5FFFF  }
0xb2: {  	[dreg:$0x1] =	wrdreg $0xFFFFFFFF  }
0xb3: {  	[dreg:$0x0] =	wrdreg $0x60  }
0xb4: {  	[dreg:$0x2] =	wrdreg s15  }
0xb5: {  	[dreg:$0x3] =	wrdreg s16  }
0xb6: {  	[dreg:$0x4] =	wrdreg s24  }
0xb7: {  	[dreg:$0x5] =	wrdreg $0x9  }
0xb8: {  	_ =	task.clear_ibuf [dreg:s8], $0x6FFFF;
	_ =	strace $0x90000046  }
0xb9: {  	s29 =	simm.s32 $0x9;
	_ =	strace $0x80000048  }
0xba: {  	_ =	swait.ge [sflag:s29], $0x1  }
0xbb: {  	[sflag:s29] =	ssyncadd.s32 $0xFFFFFFFF  }
0xbc: {  	_ =	strace $0x90000048  }
0xbd: {  	_ =	sfence  }
0xbe: {  	s30 =	sld [smem:$0x0];
	_ =	sdelay $0x2  }
0xbf: {  	s31 =	sshll.u32 s1, $0xD;
	s1 =	sshrl.u32 s1, $0x2  }
0xc0: {  	s3 =	sand.u32 $0x4000, s31;
	s1 =	sadd.s32 s1, s30  }
0xc1: {  	s0 =	sor.u32 s3, s0;
	s1 =	sshll.u32 s1, $0x11  }
0xc2: {  	s0 =	sor.u32 s1, s0  }
0xc3: {  	s0 =	sadd.s32 $0x8F2B, s0  }
0xc4: {  	[sflag:s0] =	ssyncadd.remote.s32 $0x1  }
0xc5: {  	_ =	sfence.sel $0xFFFF  }
0xc6: {  	[dreg:$0x0] =	wrdreg $0xFFFFFFFF;
	(pc) =	sbr.abs _section_cstart, $3  }
0xc7: {  	[dreg:$0x1] =	wrdreg $0xFFFFFFFF  }
0xc8: {  	_ =	task.clear_ibuf [dreg:s8], $0x2FFFF;
	_ =	strace $0x9FFFFFFF  }
0xc9: {  	(tm) =	ssettm $0x7FFFFFFF  }
tec
execute0_lowered:
.L_overlay_start_1:
0x0: {  	(tag) =	ssettag $0x1  }
0x1: {  	s1 =	rddreg [dreg:$0x0]  }
0x2: {  	s0 =	rddreg [dreg:$0x1]  }
0x3: {  	s2 =	srdreg.scid;
	s3 =	stileid.u32  }
0x4: {  	s19 =	rddreg [dreg:$0x2];
	s2 =	sand.u32 $0x1, s2;
	s3 =	sshll.u32 s3, $0x1  }
0x5: {  	s29 =	simm.s32 $0x4;
	s31 =	simm.s32 $0x5;
	s4 =	sor.u32 s2, s3  }
0x6: {  	s20 =	sadd.s32 $0x90000, s19;
	s3 =	simm.s32 $0x0;
	s5 =	smul.u32 $0x48, s4  }
0x7: {  	s2 =	ssub.s32 $0x2, s2;
	[smem:$0x7FF] =	sst s3;
	s7 =	smul.u32 $0x24000, s4  }
0x8: {  	s6 =	sshrl.u32 s2, $0x1;
	s16 =	smul.u32 $0x4800, s4;
	s4 =	sadd.s32 $0x100, s1  }
0x9: {  	_ =	strace $0x80000047;
	s2 =	ssub.s32 s2, s6;
	s0 =	sadd.s32 s0, s5  }
0xa: {  	s17 =	sshrl.u32 s7, $0x3;
	s21 =	sadd.s32 s19, s16;
	[dreg:$0x4] =	wrdreg s0  }
0xb: {  	s22 =	sadd.s32 s20, s16;
	s18 =	sadd.s32 $0x900, s17;
	[dreg:$0x6] =	wrdreg s21  }
0xc: {  	[dreg:$0x7] =	wrdreg s22;
	s24 =	sadd.s32 $0x1200, s17;
	s12 =	sadd.s32 $0x1B00, s17  }
0xd: {  	s28 =	sadd.s32 $0x2400, s17;
	s16 =	sadd.s32 $0x2D00, s17;
	s30 =	sadd.s32 $0x3600, s17  }
0xe: {  	s21 =	sadd.s32 $0x3F00, s17;
	s23 =	sadd.s32 s19, s18;
	s0 =	sadd.s32 s20, s18  }
0xf: {  	s25 =	sadd.s32 s19, s24;
	s26 =	sadd.s32 s19, s12;
	s12 =	sadd.s32 s20, s12  }
0x10: {  	s13 =	sadd.s32 s19, s28;
	s14 =	sadd.s32 s20, s28;
	[dreg:$0x8] =	wrdreg s23  }
0x11: {  	s15 =	sadd.s32 s19, s16;
	s16 =	sadd.s32 s20, s16;
	[dreg:$0x9] =	wrdreg s0  }
0x12: {  	v2 =	vlaneseq.u32;
	s17 =	sadd.s32 s19, s30;
	s18 =	sadd.s32 s20, s30;
	[dreg:$0xa] =	wrdreg s25  }
0x13: {  	vm0 =	vmmov $0xffff;
	v1 =	vshrl.u32 v2, $0x3;
	s19 =	sadd.s32 s19, s21;
	s0 =	sadd.s32 s20, s24;
	[dreg:$0xc] =	wrdreg s26  }
0x14: {  	v0 =	vand.u32 $0x7, v2;
	v2 =	vor.u32 $0x8, v2;
	v1 =	vmul.u32 $0x8, v1;
	s20 =	sadd.s32 s20, s21;
	[dreg:$0xb] =	wrdreg s0;
	s0 =	smax.u32 s2, $0x1  }
.LBB2_1:
0x15: {  	[dreg:$0x5] =	wrdreg s0  }
0x16: {  	s9 =	rddreg [dreg:$0x4];
	s10 =	simm.s32 $0x7  }
0x17: {  	[tilespmem:s3], [sflag:$0x7] =	stream.linear.gather [hbm4b:s9+s3], $0x240, $0x38;
	[tilespmem:$0x1B280] =	vst v63  }
0x18: {  	_ =	swait.ge [sflag:s10], $0x240  }
0x19: {  	[sflag:s10] =	ssyncset.done $0x0  }
0x1a: {  	[sflag:s10] =	ssyncadd.s32 $0xFFFFFDC0  }
0x1b: {  	v3 =	vld [tilespmem:$0x0];
	_ =	sdelay $0x4  }
0x1c: {  	v4 =	vshll.u32 v3, $0x2  }
0x1d: {  	v3 =	vand.u32 $0x7, v3;
	v4 =	vand.u32 $0xFFFFFFE0, v4  }
0x1e: {  	v3 =	vor.u32 v3, v4  }
0x1f: {  	v4 =	vperm.xlane v3, v0;
	_ =	sdelay $0x1  }
0x20: {  	v4 =	vadd.s32 v1, v4;
	_ =	sdelay $0x1  }
0x21: {  	v3 =	vperm.xlane v3, v2;
	_ =	sdelay $0x1  }
0x22: {  	s11 =	simm.s32 $0x280;
	v3 =	vadd.s32 v1, v3  }
0x23: {  	[tilespmem:s11], [sflag:$0x1] =	stream.indirect_vreg.gather [hbm4b:s1+s3], $0x80, v4, vm0, $0xb8;
	[tilespmem:$0x1B280] =	vst v63  }
0x24: {  	s21 =	simm.s32 $0xA80  }
0x25: {  	[tilespmem:s21], [sflag:$0x1] =	stream.indirect_vreg.gather [hbm4b:s4+s3], $0x80, v4, vm0, $0xb8;
	[tilespmem:$0x1B280] =	vst v63  }
0x26: {  	s22 =	simm.s32 $0x1280  }
0x27: {  	[tilespmem:s22], [sflag:$0x1] =	stream.indirect_vreg.gather [hbm4b:s1+s3], $0x80, v3, vm0, $0xb8;
	[tilespmem:$0x1B280] =	vst v63  }
0x28: {  	s23 =	simm.s32 $0x1A80  }
0x29: {  	[tilespmem:s23], [sflag:$0x1] =	stream.indirect_vreg.gather [hbm4b:s4+s3], $0x80, v3, vm0, $0xb8;
	[tilespmem:$0x1B280] =	vst v63  }
0x2a: {  	v3 =	vld [tilespmem:$0x10];
	_ =	sdelay $0x4  }
0x2b: {  	v25 =	vshll.u32 v3, $0x2  }
0x2c: {  	v3 =	vand.u32 $0x7, v3;
	v4 =	vand.u32 $0xFFFFFFE0, v25  }
0x2d: {  	v3 =	vor.u32 v3, v4  }
0x2e: {  	v4 =	vperm.xlane v3, v0;
	_ =	sdelay $0x1  }
0x2f: {  	v4 =	vadd.s32 v1, v4;
	_ =	sdelay $0x1  }
0x30: {  	v3 =	vperm.xlane v3, v2;
	_ =	sdelay $0x1  }
0x31: {  	s24 =	simm.s32 $0x2280;
	v3 =	vadd.s32 v1, v3  }
0x32: {  	[tilespmem:s24], [sflag:$0x1] =	stream.indirect_vreg.gather [hbm4b:s1+s3], $0x80, v4, vm0, $0xb8;
	[tilespmem:$0x1B280] =	vst v63  }
0x33: {  	s25 =	simm.s32 $0x2A80  }
0x34: {  	[tilespmem:s25], [sflag:$0x1] =	stream.indirect_vreg.gather [hbm4b:s4+s3], $0x80, v4, vm0, $0xb8;
	[tilespmem:$0x1B280] =	vst v63  }
0x35: {  	s26 =	simm.s32 $0x3280  }
0x36: {  	[tilespmem:s26], [sflag:$0x1] =	stream.indirect_vreg.gather [hbm4b:s1+s3], $0x80, v3, vm0, $0xb8;
	[tilespmem:$0x1B280] =	vst v63  }
0x37: {  	s28 =	simm.s32 $0x3A80  }
0x38: {  	[tilespmem:s28], [sflag:$0x1] =	stream.indirect_vreg.gather [hbm4b:s4+s3], $0x80, v3, vm0, $0xb8;
	[tilespmem:$0x1B280] =	vst v63  }
0x39: {  	v3 =	vld [tilespmem:$0x20];
	_ =	sdelay $0x4  }
0x3a: {  	v26 =	vshll.u32 v3, $0x2  }
0x3b: {  	v3 =	vand.u32 $0x7, v3;
	v4 =	vand.u32 $0xFFFFFFE0, v26  }
0x3c: {  	v3 =	vor.u32 v3, v4  }
0x3d: {  	v4 =	vperm.xlane v3, v0;
	_ =	sdelay $0x1  }
0x3e: {  	v4 =	vadd.s32 v1, v4;
	_ =	sdelay $0x1  }
0x3f: {  	v3 =	vperm.xlane v3, v2;
	_ =	sdelay $0x1  }
0x40: {  	s30 =	simm.s32 $0x4280;
	v3 =	vadd.s32 v1, v3  }
0x41: {  	[tilespmem:s30], [sflag:$0x1] =	stream.indirect_vreg.gather [hbm4b:s1+s3], $0x80, v4, vm0, $0xb8;
	[tilespmem:$0x1B280] =	vst v63  }
0x42: {  	s2 =	simm.s32 $0x4A80  }
0x43: {  	[tilespmem:s2], [sflag:$0x1] =	stream.indirect_vreg.gather [hbm4b:s4+s3], $0x80, v4, vm0, $0xb8;
	[tilespmem:$0x1B280] =	vst v63  }
0x44: {  	s5 =	simm.s32 $0x5280  }
0x45: {  	[tilespmem:s5], [sflag:$0x1] =	stream.indirect_vreg.gather [hbm4b:s1+s3], $0x80, v3, vm0, $0xb8;
	[tilespmem:$0x1B280] =	vst v63  }
0x46: {  	s8 =	simm.s32 $0x5A80  }
0x47: {  	[tilespmem:s8], [sflag:$0x1] =	stream.indirect_vreg.gather [hbm4b:s4+s3], $0x80, v3, vm0, $0xb8;
	[tilespmem:$0x1B280] =	vst v63  }
0x48: {  	v3 =	vld [tilespmem:$0x30];
	_ =	sdelay $0x4  }
0x49: {  	v27 =	vshll.u32 v3, $0x2  }
0x4a: {  	v3 =	vand.u32 $0x7, v3;
	v4 =	vand.u32 $0xFFFFFFE0, v27  }
0x4b: {  	v3 =	vor.u32 v3, v4  }
0x4c: {  	v4 =	vperm.xlane v3, v0;
	_ =	sdelay $0x1  }
0x4d: {  	v4 =	vadd.s32 v1, v4;
	_ =	sdelay $0x1  }
0x4e: {  	v3 =	vperm.xlane v3, v2;
	_ =	sdelay $0x1  }
0x4f: {  	s9 =	simm.s32 $0x6280;
	v3 =	vadd.s32 v1, v3  }
0x50: {  	[tilespmem:s9], [sflag:$0x1] =	stream.indirect_vreg.gather [hbm4b:s1+s3], $0x80, v4, vm0, $0xb8;
	[tilespmem:$0x1B280] =	vst v63  }
0x51: {  	s11 =	simm.s32 $0x6A80  }
0x52: {  	[tilespmem:s11], [sflag:$0x1] =	stream.indirect_vreg.gather [hbm4b:s4+s3], $0x80, v4, vm0, $0xb8;
	[tilespmem:$0x1B280] =	vst v63  }
0x53: {  	s21 =	simm.s32 $0x7280  }
0x54: {  	[tilespmem:s21], [sflag:$0x1] =	stream.indirect_vreg.gather [hbm4b:s1+s3], $0x80, v3, vm0, $0xb8;
	[tilespmem:$0x1B280] =	vst v63  }
0x55: {  	s23 =	simm.s32 $0x7A80  }
0x56: {  	[tilespmem:s23], [sflag:$0x1] =	stream.indirect_vreg.gather [hbm4b:s4+s3], $0x80, v3, vm0, $0xb8;
	[tilespmem:$0x1B280] =	vst v63  }
0x57: {  	v3 =	vld.msk [tilespmem:$0x40], $0xff;
	_ =	sdelay $0x4  }
0x58: {  	v28 =	vshll.u32 v3, $0x2  }
0x59: {  	v3 =	vand.u32 $0x7, v3;
	v4 =	vand.u32 $0xFFFFFFE0, v28  }
0x5a: {  	v3 =	vor.u32 v3, v4  }
0x5b: {  	v3 =	vperm.xlane v3, v0;
	_ =	sdelay $0x1  }
0x5c: {  	v3 =	vadd.s32 v1, v3;
	_ =	sdelay $0x3  }
0x5d: {  	s25 =	simm.s32 $0x8280  }
0x5e: {  	[tilespmem:s25], [sflag:$0x1] =	stream.indirect_vreg.gather [hbm4b:s1+s3], $0x80, v3, vm0, $0xb8;
	[tilespmem:$0x1B280] =	vst v63  }
0x5f: {  	s28 =	simm.s32 $0x8A80  }
0x60: {  	[tilespmem:s28], [sflag:$0x1] =	stream.indirect_vreg.gather [hbm4b:s4+s3], $0x80, v3, vm0, $0xb8;
	[tilespmem:$0x1B280] =	vst v63  }
0x61: {  	v3 =	vld [tilespmem:$0x48];
	_ =	sdelay $0x4  }
0x62: {  	v29 =	vshll.u32 v3, $0x2  }
0x63: {  	v3 =	vand.u32 $0x7, v3;
	v4 =	vand.u32 $0xFFFFFFE0, v29  }
0x64: {  	v3 =	vor.u32 v3, v4  }
0x65: {  	v4 =	vperm.xlane v3, v0;
	_ =	sdelay $0x1  }
0x66: {  	v4 =	vadd.s32 v1, v4;
	_ =	sdelay $0x1  }
0x67: {  	v3 =	vperm.xlane v3, v2;
	_ =	sdelay $0x1  }
0x68: {  	s5 =	simm.s32 $0x9280;
	v3 =	vadd.s32 v1, v3  }
0x69: {  	[tilespmem:s5], [sflag:$0x2] =	stream.indirect_vreg.gather [hbm4b:s1+s3], $0x80, v4, vm0, $0xb8;
	[tilespmem:$0x1B280] =	vst v63  }
0x6a: {  	s8 =	simm.s32 $0x9A80  }
0x6b: {  	[tilespmem:s8], [sflag:$0x2] =	stream.indirect_vreg.gather [hbm4b:s4+s3], $0x80, v4, vm0, $0xb8;
	[tilespmem:$0x1B280] =	vst v63  }
0x6c: {  	s11 =	simm.s32 $0xA280  }
0x6d: {  	[tilespmem:s11], [sflag:$0x2] =	stream.indirect_vreg.gather [hbm4b:s1+s3], $0x80, v3, vm0, $0xb8;
	[tilespmem:$0x1B280] =	vst v63  }
0x6e: {  	s25 =	simm.s32 $0xAA80  }
0x6f: {  	[tilespmem:s25], [sflag:$0x2] =	stream.indirect_vreg.gather [hbm4b:s4+s3], $0x80, v3, vm0, $0xb8;
	[tilespmem:$0x1B280] =	vst v63  }
0x70: {  	v3 =	vld [tilespmem:$0x58];
	_ =	sdelay $0x4  }
0x71: {  	v30 =	vshll.u32 v3, $0x2  }
0x72: {  	v3 =	vand.u32 $0x7, v3;
	v4 =	vand.u32 $0xFFFFFFE0, v30  }
0x73: {  	v3 =	vor.u32 v3, v4  }
0x74: {  	v4 =	vperm.xlane v3, v0;
	_ =	sdelay $0x1  }
0x75: {  	v4 =	vadd.s32 v1, v4;
	_ =	sdelay $0x1  }
0x76: {  	v3 =	vperm.xlane v3, v2;
	_ =	sdelay $0x1  }
0x77: {  	s5 =	simm.s32 $0xB280;
	v3 =	vadd.s32 v1, v3  }
0x78: {  	[tilespmem:s5], [sflag:$0x2] =	stream.indirect_vreg.gather [hbm4b:s1+s3], $0x80, v4, vm0, $0xb8;
	[tilespmem:$0x1B280] =	vst v63  }
0x79: {  	s25 =	simm.s32 $0xBA80  }
0x7a: {  	[tilespmem:s25], [sflag:$0x2] =	stream.indirect_vreg.gather [hbm4b:s4+s3], $0x80, v4, vm0, $0xb8;
	[tilespmem:$0x1B280] =	vst v63  }
0x7b: {  	s5 =	simm.s32 $0xC280  }
0x7c: {  	[tilespmem:s5], [sflag:$0x2] =	stream.indirect_vreg.gather [hbm4b:s1+s3], $0x80, v3, vm0, $0xb8;
	[tilespmem:$0x1B280] =	vst v63  }
0x7d: {  	s25 =	simm.s32 $0xCA80  }
0x7e: {  	[tilespmem:s25], [sflag:$0x2] =	stream.indirect_vreg.gather [hbm4b:s4+s3], $0x80, v3, vm0, $0xb8;
	[tilespmem:$0x1B280] =	vst v63  }
0x7f: {  	v3 =	vld [tilespmem:$0x68];
	_ =	sdelay $0x4  }
0x80: {  	v31 =	vshll.u32 v3, $0x2  }
0x81: {  	v3 =	vand.u32 $0x7, v3;
	v4 =	vand.u32 $0xFFFFFFE0, v31  }
0x82: {  	v3 =	vor.u32 v3, v4  }
0x83: {  	v4 =	vperm.xlane v3, v0;
	_ =	sdelay $0x1  }
0x84: {  	v4 =	vadd.s32 v1, v4;
	_ =	sdelay $0x1  }
0x85: {  	v3 =	vperm.xlane v3, v2;
	_ =	sdelay $0x1  }
0x86: {  	s5 =	simm.s32 $0xD280;
	v3 =	vadd.s32 v1, v3  }
0x87: {  	[tilespmem:s5], [sflag:$0x2] =	stream.indirect_vreg.gather [hbm4b:s1+s3], $0x80, v4, vm0, $0xb8;
	[tilespmem:$0x1B280] =	vst v63  }
0x88: {  	s25 =	simm.s32 $0xDA80  }
0x89: {  	[tilespmem:s25], [sflag:$0x2] =	stream.indirect_vreg.gather [hbm4b:s4+s3], $0x80, v4, vm0, $0xb8;
	[tilespmem:$0x1B280] =	vst v63  }
0x8a: {  	s5 =	simm.s32 $0xE280  }
0x8b: {  	[tilespmem:s5], [sflag:$0x2] =	stream.indirect_vreg.gather [hbm4b:s1+s3], $0x80, v3, vm0, $0xb8;
	[tilespmem:$0x1B280] =	vst v63  }
0x8c: {  	s25 =	simm.s32 $0xEA80  }
0x8d: {  	[tilespmem:s25], [sflag:$0x2] =	stream.indirect_vreg.gather [hbm4b:s4+s3], $0x80, v3, vm0, $0xb8;
	[tilespmem:$0x1B280] =	vst v63  }
0x8e: {  	v3 =	vld [tilespmem:$0x78];
	_ =	sdelay $0x4  }
0x8f: {  	v32 =	vshll.u32 v3, $0x2  }
0x90: {  	v3 =	vand.u32 $0x7, v3;
	v4 =	vand.u32 $0xFFFFFFE0, v32  }
0x91: {  	v3 =	vor.u32 v3, v4  }
0x92: {  	v4 =	vperm.xlane v3, v0;
	_ =	sdelay $0x1  }
0x93: {  	v4 =	vadd.s32 v1, v4;
	_ =	sdelay $0x1  }
0x94: {  	v3 =	vperm.xlane v3, v2;
	_ =	sdelay $0x1  }
0x95: {  	s5 =	simm.s32 $0xF280;
	v3 =	vadd.s32 v1, v3  }
0x96: {  	[tilespmem:s5], [sflag:$0x2] =	stream.indirect_vreg.gather [hbm4b:s1+s3], $0x80, v4, vm0, $0xb8;
	[tilespmem:$0x1B280] =	vst v63  }
0x97: {  	s25 =	simm.s32 $0xFA80  }
0x98: {  	[tilespmem:s25], [sflag:$0x2] =	stream.indirect_vreg.gather [hbm4b:s4+s3], $0x80, v4, vm0, $0xb8;
	[tilespmem:$0x1B280] =	vst v63  }
0x99: {  	s5 =	simm.s32 $0x10280  }
0x9a: {  	[tilespmem:s5], [sflag:$0x2] =	stream.indirect_vreg.gather [hbm4b:s1+s3], $0x80, v3, vm0, $0xb8;
	[tilespmem:$0x1B280] =	vst v63  }
0x9b: {  	s25 =	simm.s32 $0x10A80  }
0x9c: {  	[tilespmem:s25], [sflag:$0x2] =	stream.indirect_vreg.gather [hbm4b:s4+s3], $0x80, v3, vm0, $0xb8;
	[tilespmem:$0x1B280] =	vst v63  }
0x9d: {  	v3 =	vld.msk [tilespmem:$0x88], $0xff;
	_ =	sdelay $0x4  }
0x9e: {  	v33 =	vshll.u32 v3, $0x2  }
0x9f: {  	v3 =	vand.u32 $0x7, v3;
	v4 =	vand.u32 $0xFFFFFFE0, v33  }
0xa0: {  	v3 =	vor.u32 v3, v4  }
0xa1: {  	v3 =	vperm.xlane v3, v0;
	_ =	sdelay $0x1  }
0xa2: {  	v3 =	vadd.s32 v1, v3;
	_ =	sdelay $0x3  }
0xa3: {  	s5 =	simm.s32 $0x11280  }
0xa4: {  	[tilespmem:s5], [sflag:$0x2] =	stream.indirect_vreg.gather [hbm4b:s1+s3], $0x80, v3, vm0, $0xb8;
	[tilespmem:$0x1B280] =	vst v63  }
0xa5: {  	s25 =	simm.s32 $0x11A80  }
0xa6: {  	[tilespmem:s25], [sflag:$0x2] =	stream.indirect_vreg.gather [hbm4b:s4+s3], $0x80, v3, vm0, $0xb8;
	[tilespmem:$0x1B280] =	vst v63  }
0xa7: {  	s25 =	simm.s32 $0x1  }
0xa8: {  	_ =	swait.ge [sflag:s25], $0x9000  }
0xa9: {  	[sflag:s25] =	ssyncset.done $0x0  }
0xaa: {  	s6 =	simm.s32 $0x280;
	[sflag:s25] =	ssyncadd.s32 $0xFFFF7000;
	s25 =	rddreg [dreg:$0x6]  }
0xab: {  	[hbm4b:s25+s3] =	stream.linear.scatter [tilespmem:s6], [sflag:$0x4], $0x800, $0x38;
	[tilespmem:$0x1B280] =	vst v63  }
0xac: {  	s10 =	simm.s32 $0x1280;
	s6 =	sadd.s32 $0x100, s25  }
0xad: {  	[hbm4b:s6+s3] =	stream.linear.scatter [tilespmem:s10], [sflag:$0x4], $0x800, $0x38;
	[tilespmem:$0x1B280] =	vst v63  }
0xae: {  	s6 =	sadd.s32 $0x200, s25;
	s10 =	simm.s32 $0x2280  }
0xaf: {  	[hbm4b:s6+s3] =	stream.linear.scatter [tilespmem:s10], [sflag:$0x4], $0x800, $0x38;
	[tilespmem:$0x1B280] =	vst v63  }
0xb0: {  	s6 =	sadd.s32 $0x300, s25;
	s10 =	simm.s32 $0x3280  }
0xb1: {  	[hbm4b:s6+s3] =	stream.linear.scatter [tilespmem:s10], [sflag:$0x4], $0x800, $0x38;
	[tilespmem:$0x1B280] =	vst v63  }
0xb2: {  	s26 =	simm.s32 $0x4280;
	s10 =	sadd.s32 $0x400, s25  }
0xb3: {  	[hbm4b:s10+s3] =	stream.linear.scatter [tilespmem:s26], [sflag:$0x4], $0x800, $0x38;
	[tilespmem:$0x1B280] =	vst v63  }
0xb4: {  	s30 =	simm.s32 $0x5280;
	s6 =	sadd.s32 $0x500, s25  }
0xb5: {  	[hbm4b:s6+s3] =	stream.linear.scatter [tilespmem:s30], [sflag:$0x4], $0x800, $0x38;
	[tilespmem:$0x1B280] =	vst v63  }
0xb6: {  	s22 =	simm.s32 $0x6280;
	s10 =	sadd.s32 $0x600, s25  }
0xb7: {  	[hbm4b:s10+s3] =	stream.linear.scatter [tilespmem:s22], [sflag:$0x4], $0x800, $0x38;
	[tilespmem:$0x1B280] =	vst v63  }
0xb8: {  	s21 =	simm.s32 $0x7280;
	s22 =	sadd.s32 $0x700, s25  }
0xb9: {  	[hbm4b:s22+s3] =	stream.linear.scatter [tilespmem:s21], [sflag:$0x4], $0x800, $0x38;
	[tilespmem:$0x1B280] =	vst v63  }
0xba: {  	s2 =	simm.s32 $0x8280;
	s25 =	sadd.s32 $0x800, s25  }
0xbb: {  	[hbm4b:s25+s3] =	stream.linear.scatter [tilespmem:s2], [sflag:$0x4], $0x800, $0x38;
	[tilespmem:$0x1B280] =	vst v63  }
0xbc: {  	s7 =	simm.s32 $0xA80;
	s6 =	rddreg [dreg:$0x7]  }
0xbd: {  	[hbm4b:s6+s3] =	stream.linear.scatter [tilespmem:s7], [sflag:$0x4], $0x800, $0x38;
	[tilespmem:$0x1B280] =	vst v63  }
0xbe: {  	s30 =	simm.s32 $0x1A80;
	s26 =	sadd.s32 $0x100, s6  }
0xbf: {  	[hbm4b:s26+s3] =	stream.linear.scatter [tilespmem:s30], [sflag:$0x4], $0x800, $0x38;
	[tilespmem:$0x1B280] =	vst v63  }
0xc0: {  	s21 =	sadd.s32 $0x200, s6;
	s25 =	simm.s32 $0x2A80  }
0xc1: {  	[hbm4b:s21+s3] =	stream.linear.scatter [tilespmem:s25], [sflag:$0x4], $0x800, $0x38;
	[tilespmem:$0x1B280] =	vst v63  }
0xc2: {  	s26 =	sadd.s32 $0x300, s6;
	s30 =	simm.s32 $0x3A80  }
0xc3: {  	[hbm4b:s26+s3] =	stream.linear.scatter [tilespmem:s30], [sflag:$0x4], $0x800, $0x38;
	[tilespmem:$0x1B280] =	vst v63  }
0xc4: {  	s21 =	sadd.s32 $0x400, s6;
	s30 =	simm.s32 $0x4A80  }
0xc5: {  	[hbm4b:s21+s3] =	stream.linear.scatter [tilespmem:s30], [sflag:$0x4], $0x800, $0x38;
	[tilespmem:$0x1B280] =	vst v63  }
0xc6: {  	s7 =	sadd.s32 $0x500, s6;
	s30 =	simm.s32 $0x5A80  }
0xc7: {  	[hbm4b:s7+s3] =	stream.linear.scatter [tilespmem:s30], [sflag:$0x4], $0x800, $0x38;
	[tilespmem:$0x1B280] =	vst v63  }
0xc8: {  	s24 =	simm.s32 $0x6A80;
	s7 =	sadd.s32 $0x600, s6  }
0xc9: {  	[hbm4b:s7+s3] =	stream.linear.scatter [tilespmem:s24], [sflag:$0x4], $0x800, $0x38;
	[tilespmem:$0x1B280] =	vst v63  }
0xca: {  	s23 =	simm.s32 $0x7A80;
	s7 =	sadd.s32 $0x700, s6  }
0xcb: {  	[hbm4b:s7+s3] =	stream.linear.scatter [tilespmem:s23], [sflag:$0x4], $0x800, $0x38;
	[tilespmem:$0x1B280] =	vst v63  }
0xcc: {  	s28 =	simm.s32 $0x8A80;
	s24 =	sadd.s32 $0x800, s6  }
0xcd: {  	[hbm4b:s24+s3] =	stream.linear.scatter [tilespmem:s28], [sflag:$0x4], $0x800, $0x38;
	[tilespmem:$0x1B280] =	vst v63  }
0xce: {  	v3 =	vld [tilespmem:$0x90];
	_ =	sdelay $0x4  }
0xcf: {  	v34 =	vshll.u32 v3, $0x2  }
0xd0: {  	v3 =	vand.u32 $0x7, v3;
	v4 =	vand.u32 $0xFFFFFFE0, v34  }
0xd1: {  	v3 =	vor.u32 v3, v4  }
0xd2: {  	v4 =	vperm.xlane v3, v0;
	_ =	sdelay $0x1  }
0xd3: {  	v4 =	vadd.s32 v1, v4;
	_ =	sdelay $0x1  }
0xd4: {  	v3 =	vperm.xlane v3, v2;
	_ =	sdelay $0x1  }
0xd5: {  	s28 =	simm.s32 $0x12280;
	v3 =	vadd.s32 v1, v3  }
0xd6: {  	[tilespmem:s28], [sflag:$0x3] =	stream.indirect_vreg.gather [hbm4b:s1+s3], $0x80, v4, vm0, $0xb8;
	[tilespmem:$0x1B280] =	vst v63  }
0xd7: {  	s6 =	simm.s32 $0x12A80  }
0xd8: {  	[tilespmem:s6], [sflag:$0x3] =	stream.indirect_vreg.gather [hbm4b:s4+s3], $0x80, v4, vm0, $0xb8;
	[tilespmem:$0x1B280] =	vst v63  }
0xd9: {  	s7 =	simm.s32 $0x13280  }
0xda: {  	[tilespmem:s7], [sflag:$0x3] =	stream.indirect_vreg.gather [hbm4b:s1+s3], $0x80, v3, vm0, $0xb8;
	[tilespmem:$0x1B280] =	vst v63  }
0xdb: {  	s23 =	simm.s32 $0x13A80  }
0xdc: {  	[tilespmem:s23], [sflag:$0x3] =	stream.indirect_vreg.gather [hbm4b:s4+s3], $0x80, v3, vm0, $0xb8;
	[tilespmem:$0x1B280] =	vst v63  }
0xdd: {  	v3 =	vld [tilespmem:$0xA0];
	_ =	sdelay $0x4  }
0xde: {  	v35 =	vshll.u32 v3, $0x2  }
0xdf: {  	v3 =	vand.u32 $0x7, v3;
	v4 =	vand.u32 $0xFFFFFFE0, v35  }
0xe0: {  	v3 =	vor.u32 v3, v4  }
0xe1: {  	v4 =	vperm.xlane v3, v0;
	_ =	sdelay $0x1  }
0xe2: {  	v4 =	vadd.s32 v1, v4;
	_ =	sdelay $0x1  }
0xe3: {  	v3 =	vperm.xlane v3, v2;
	_ =	sdelay $0x1  }
0xe4: {  	s24 =	simm.s32 $0x14280;
	v3 =	vadd.s32 v1, v3  }
0xe5: {  	[tilespmem:s24], [sflag:$0x3] =	stream.indirect_vreg.gather [hbm4b:s1+s3], $0x80, v4, vm0, $0xb8;
	[tilespmem:$0x1B280] =	vst v63  }
0xe6: {  	s28 =	simm.s32 $0x14A80  }
0xe7: {  	[tilespmem:s28], [sflag:$0x3] =	stream.indirect_vreg.gather [hbm4b:s4+s3], $0x80, v4, vm0, $0xb8;
	[tilespmem:$0x1B280] =	vst v63  }
0xe8: {  	s6 =	simm.s32 $0x15280  }
0xe9: {  	[tilespmem:s6], [sflag:$0x3] =	stream.indirect_vreg.gather [hbm4b:s1+s3], $0x80, v3, vm0, $0xb8;
	[tilespmem:$0x1B280] =	vst v63  }
0xea: {  	s7 =	simm.s32 $0x15A80  }
0xeb: {  	[tilespmem:s7], [sflag:$0x3] =	stream.indirect_vreg.gather [hbm4b:s4+s3], $0x80, v3, vm0, $0xb8;
	[tilespmem:$0x1B280] =	vst v63  }
0xec: {  	v3 =	vld [tilespmem:$0xB0];
	_ =	sdelay $0x4  }
0xed: {  	v36 =	vshll.u32 v3, $0x2  }
0xee: {  	v3 =	vand.u32 $0x7, v3;
	v4 =	vand.u32 $0xFFFFFFE0, v36  }
0xef: {  	v3 =	vor.u32 v3, v4  }
0xf0: {  	v4 =	vperm.xlane v3, v0;
	_ =	sdelay $0x1  }
0xf1: {  	v4 =	vadd.s32 v1, v4;
	_ =	sdelay $0x1  }
0xf2: {  	v3 =	vperm.xlane v3, v2;
	_ =	sdelay $0x1  }
0xf3: {  	s23 =	simm.s32 $0x16280;
	v3 =	vadd.s32 v1, v3  }
0xf4: {  	[tilespmem:s23], [sflag:$0x3] =	stream.indirect_vreg.gather [hbm4b:s1+s3], $0x80, v4, vm0, $0xb8;
	[tilespmem:$0x1B280] =	vst v63  }
0xf5: {  	s24 =	simm.s32 $0x16A80  }
0xf6: {  	[tilespmem:s24], [sflag:$0x3] =	stream.indirect_vreg.gather [hbm4b:s4+s3], $0x80, v4, vm0, $0xb8;
	[tilespmem:$0x1B280] =	vst v63  }
0xf7: {  	s28 =	simm.s32 $0x17280  }
0xf8: {  	[tilespmem:s28], [sflag:$0x3] =	stream.indirect_vreg.gather [hbm4b:s1+s3], $0x80, v3, vm0, $0xb8;
	[tilespmem:$0x1B280] =	vst v63  }
0xf9: {  	s6 =	simm.s32 $0x17A80  }
0xfa: {  	[tilespmem:s6], [sflag:$0x3] =	stream.indirect_vreg.gather [hbm4b:s4+s3], $0x80, v3, vm0, $0xb8;
	[tilespmem:$0x1B280] =	vst v63  }
0xfb: {  	v3 =	vld [tilespmem:$0xC0];
	_ =	sdelay $0x4  }
0xfc: {  	v37 =	vshll.u32 v3, $0x2  }
0xfd: {  	v3 =	vand.u32 $0x7, v3;
	v4 =	vand.u32 $0xFFFFFFE0, v37  }
0xfe: {  	v3 =	vor.u32 v3, v4  }
0xff: {  	v4 =	vperm.xlane v3, v0;
	_ =	sdelay $0x1  }
0x100: {  	v4 =	vadd.s32 v1, v4;
	_ =	sdelay $0x1  }
0x101: {  	v3 =	vperm.xlane v3, v2;
	_ =	sdelay $0x1  }
0x102: {  	s7 =	simm.s32 $0x18280;
	v3 =	vadd.s32 v1, v3  }
0x103: {  	[tilespmem:s7], [sflag:$0x3] =	stream.indirect_vreg.gather [hbm4b:s1+s3], $0x80, v4, vm0, $0xb8;
	[tilespmem:$0x1B280] =	vst v63  }
0x104: {  	s23 =	simm.s32 $0x18A80  }
0x105: {  	[tilespmem:s23], [sflag:$0x3] =	stream.indirect_vreg.gather [hbm4b:s4+s3], $0x80, v4, vm0, $0xb8;
	[tilespmem:$0x1B280] =	vst v63  }
0x106: {  	s24 =	simm.s32 $0x19280  }
0x107: {  	[tilespmem:s24], [sflag:$0x3] =	stream.indirect_vreg.gather [hbm4b:s1+s3], $0x80, v3, vm0, $0xb8;
	[tilespmem:$0x1B280] =	vst v63  }
0x108: {  	s6 =	simm.s32 $0x19A80  }
0x109: {  	[tilespmem:s6], [sflag:$0x3] =	stream.indirect_vreg.gather [hbm4b:s4+s3], $0x80, v3, vm0, $0xb8;
	[tilespmem:$0x1B280] =	vst v63  }
0x10a: {  	v3 =	vld.msk [tilespmem:$0xD0], $0xff;
	_ =	sdelay $0x4  }
0x10b: {  	v38 =	vshll.u32 v3, $0x2  }
0x10c: {  	v3 =	vand.u32 $0x7, v3;
	v4 =	vand.u32 $0xFFFFFFE0, v38  }
0x10d: {  	v3 =	vor.u32 v3, v4  }
0x10e: {  	v3 =	vperm.xlane v3, v0;
	_ =	sdelay $0x1  }
0x10f: {  	v3 =	vadd.s32 v1, v3;
	_ =	sdelay $0x3  }
0x110: {  	s7 =	simm.s32 $0x1A280  }
0x111: {  	[tilespmem:s7], [sflag:$0x3] =	stream.indirect_vreg.gather [hbm4b:s1+s3], $0x80, v3, vm0, $0xb8;
	[tilespmem:$0x1B280] =	vst v63  }
0x112: {  	s24 =	simm.s32 $0x1AA80;
	s6 =	simm.s32 $0x2  }
0x113: {  	[tilespmem:s24], [sflag:$0x3] =	stream.indirect_vreg.gather [hbm4b:s4+s3], $0x80, v3, vm0, $0xb8;
	[tilespmem:$0x1B280] =	vst v63  }
0x114: {  	_ =	swait.ge [sflag:s6], $0x9000  }
0x115: {  	[sflag:s6] =	ssyncset.done $0x0  }
0x116: {  	s9 =	simm.s32 $0x9280;
	[sflag:s6] =	ssyncadd.s32 $0xFFFF7000;
	s6 =	rddreg [dreg:$0x8]  }
0x117: {  	[hbm4b:s6+s3] =	stream.linear.scatter [tilespmem:s9], [sflag:$0x5], $0x800, $0x38;
	[tilespmem:$0x1B280] =	vst v63  }
0x118: {  	s24 =	simm.s32 $0xA280;
	s9 =	sadd.s32 $0x100, s6  }
0x119: {  	[hbm4b:s9+s3] =	stream.linear.scatter [tilespmem:s24], [sflag:$0x5], $0x800, $0x38;
	[tilespmem:$0x1B280] =	vst v63  }
0x11a: {  	s24 =	sadd.s32 $0x200, s6;
	s9 =	simm.s32 $0xB280  }
0x11b: {  	[hbm4b:s24+s3] =	stream.linear.scatter [tilespmem:s9], [sflag:$0x5], $0x800, $0x38;
	[tilespmem:$0x1B280] =	vst v63  }
0x11c: {  	s24 =	sadd.s32 $0x300, s6;
	s9 =	simm.s32 $0xC280  }
0x11d: {  	[hbm4b:s24+s3] =	stream.linear.scatter [tilespmem:s9], [sflag:$0x5], $0x800, $0x38;
	[tilespmem:$0x1B280] =	vst v63  }
0x11e: {  	s9 =	sadd.s32 $0x400, s6;
	s24 =	simm.s32 $0xD280  }
0x11f: {  	[hbm4b:s9+s3] =	stream.linear.scatter [tilespmem:s24], [sflag:$0x5], $0x800, $0x38;
	[tilespmem:$0x1B280] =	vst v63  }
0x120: {  	s9 =	sadd.s32 $0x500, s6;
	s24 =	simm.s32 $0xE280  }
0x121: {  	[hbm4b:s9+s3] =	stream.linear.scatter [tilespmem:s24], [sflag:$0x5], $0x800, $0x38;
	[tilespmem:$0x1B280] =	vst v63  }
0x122: {  	s9 =	sadd.s32 $0x600, s6;
	s24 =	simm.s32 $0xF280  }
0x123: {  	[hbm4b:s9+s3] =	stream.linear.scatter [tilespmem:s24], [sflag:$0x5], $0x800, $0x38;
	[tilespmem:$0x1B280] =	vst v63  }
0x124: {  	s9 =	sadd.s32 $0x700, s6;
	s24 =	simm.s32 $0x10280  }
0x125: {  	[hbm4b:s9+s3] =	stream.linear.scatter [tilespmem:s24], [sflag:$0x5], $0x800, $0x38;
	[tilespmem:$0x1B280] =	vst v63  }
0x126: {  	s5 =	simm.s32 $0x11280;
	s9 =	sadd.s32 $0x800, s6  }
0x127: {  	[hbm4b:s9+s3] =	stream.linear.scatter [tilespmem:s5], [sflag:$0x5], $0x800, $0x38;
	[tilespmem:$0x1B280] =	vst v63  }
0x128: {  	s8 =	simm.s32 $0x9A80;
	s6 =	rddreg [dreg:$0x9]  }
0x129: {  	[hbm4b:s6+s3] =	stream.linear.scatter [tilespmem:s8], [sflag:$0x5], $0x800, $0x38;
	[tilespmem:$0x1B280] =	vst v63  }
0x12a: {  	s11 =	simm.s32 $0xAA80;
	s24 =	sadd.s32 $0x100, s6  }
0x12b: {  	[hbm4b:s24+s3] =	stream.linear.scatter [tilespmem:s11], [sflag:$0x5], $0x800, $0x38;
	[tilespmem:$0x1B280] =	vst v63  }
0x12c: {  	s5 =	sadd.s32 $0x200, s6;
	s8 =	simm.s32 $0xBA80  }
0x12d: {  	[hbm4b:s5+s3] =	stream.linear.scatter [tilespmem:s8], [sflag:$0x5], $0x800, $0x38;
	[tilespmem:$0x1B280] =	vst v63  }
0x12e: {  	s11 =	sadd.s32 $0x300, s6;
	s24 =	simm.s32 $0xCA80  }
0x12f: {  	[hbm4b:s11+s3] =	stream.linear.scatter [tilespmem:s24], [sflag:$0x5], $0x800, $0x38;
	[tilespmem:$0x1B280] =	vst v63  }
0x130: {  	s5 =	sadd.s32 $0x400, s6;
	s8 =	simm.s32 $0xDA80  }
0x131: {  	[hbm4b:s5+s3] =	stream.linear.scatter [tilespmem:s8], [sflag:$0x5], $0x800, $0x38;
	[tilespmem:$0x1B280] =	vst v63  }
0x132: {  	s11 =	sadd.s32 $0x500, s6;
	s24 =	simm.s32 $0xEA80  }
0x133: {  	[hbm4b:s11+s3] =	stream.linear.scatter [tilespmem:s24], [sflag:$0x5], $0x800, $0x38;
	[tilespmem:$0x1B280] =	vst v63  }
0x134: {  	s11 =	sadd.s32 $0x600, s6;
	s24 =	simm.s32 $0xFA80  }
0x135: {  	[hbm4b:s11+s3] =	stream.linear.scatter [tilespmem:s24], [sflag:$0x5], $0x800, $0x38;
	[tilespmem:$0x1B280] =	vst v63  }
0x136: {  	s11 =	sadd.s32 $0x700, s6;
	s24 =	simm.s32 $0x10A80  }
0x137: {  	[hbm4b:s11+s3] =	stream.linear.scatter [tilespmem:s24], [sflag:$0x5], $0x800, $0x38;
	[tilespmem:$0x1B280] =	vst v63  }
0x138: {  	s11 =	sadd.s32 $0x800, s6;
	s24 =	simm.s32 $0x11A80  }
0x139: {  	[hbm4b:s11+s3] =	stream.linear.scatter [tilespmem:s24], [sflag:$0x5], $0x800, $0x38;
	[tilespmem:$0x1B280] =	vst v63  }
0x13a: {  	_ =	swait.ge [sflag:s29], $0x4800  }
0x13b: {  	[sflag:s29] =	ssyncset.done $0x0  }
0x13c: {  	[sflag:s29] =	ssyncadd.s32 $0xFFFFB800  }
0x13d: {  	_ =	swait.ge [sflag:s29], $0x4800  }
0x13e: {  	[sflag:s29] =	ssyncset.done $0x0  }
0x13f: {  	[sflag:s29] =	ssyncadd.s32 $0xFFFFB800  }
0x140: {  	v3 =	vld [tilespmem:$0xD8];
	_ =	sdelay $0x4  }
0x141: {  	v39 =	vshll.u32 v3, $0x2  }
0x142: {  	v3 =	vand.u32 $0x7, v3;
	v4 =	vand.u32 $0xFFFFFFE0, v39  }
0x143: {  	v3 =	vor.u32 v3, v4  }
0x144: {  	v4 =	vperm.xlane v3, v0;
	_ =	sdelay $0x1  }
0x145: {  	v4 =	vadd.s32 v1, v4;
	_ =	sdelay $0x1  }
0x146: {  	v3 =	vperm.xlane v3, v2;
	_ =	sdelay $0x1  }
0x147: {  	s5 =	simm.s32 $0x280;
	v3 =	vadd.s32 v1, v3  }
0x148: {  	[tilespmem:s5], [sflag:$0x1] =	stream.indirect_vreg.gather [hbm4b:s1+s3], $0x80, v4, vm0, $0xb8;
	[tilespmem:$0x1B280] =	vst v63  }
0x149: {  	s2 =	simm.s32 $0xA80  }
0x14a: {  	[tilespmem:s2], [sflag:$0x1] =	stream.indirect_vreg.gather [hbm4b:s4+s3], $0x80, v4, vm0, $0xb8;
	[tilespmem:$0x1B280] =	vst v63  }
0x14b: {  	s6 =	simm.s32 $0x1280  }
0x14c: {  	[tilespmem:s6], [sflag:$0x1] =	stream.indirect_vreg.gather [hbm4b:s1+s3], $0x80, v3, vm0, $0xb8;
	[tilespmem:$0x1B280] =	vst v63  }
0x14d: {  	s22 =	simm.s32 $0x1A80  }
0x14e: {  	[tilespmem:s22], [sflag:$0x1] =	stream.indirect_vreg.gather [hbm4b:s4+s3], $0x80, v3, vm0, $0xb8;
	[tilespmem:$0x1B280] =	vst v63  }
0x14f: {  	v3 =	vld [tilespmem:$0xE8];
	_ =	sdelay $0x4  }
0x150: {  	v40 =	vshll.u32 v3, $0x2  }
0x151: {  	v3 =	vand.u32 $0x7, v3;
	v4 =	vand.u32 $0xFFFFFFE0, v40  }
0x152: {  	v3 =	vor.u32 v3, v4  }
0x153: {  	v4 =	vperm.xlane v3, v0;
	_ =	sdelay $0x1  }
0x154: {  	v4 =	vadd.s32 v1, v4;
	_ =	sdelay $0x1  }
0x155: {  	v3 =	vperm.xlane v3, v2;
	_ =	sdelay $0x1  }
0x156: {  	s11 =	simm.s32 $0x2280;
	v3 =	vadd.s32 v1, v3  }
0x157: {  	[tilespmem:s11], [sflag:$0x1] =	stream.indirect_vreg.gather [hbm4b:s1+s3], $0x80, v4, vm0, $0xb8;
	[tilespmem:$0x1B280] =	vst v63  }
0x158: {  	s25 =	simm.s32 $0x2A80  }
0x159: {  	[tilespmem:s25], [sflag:$0x1] =	stream.indirect_vreg.gather [hbm4b:s4+s3], $0x80, v4, vm0, $0xb8;
	[tilespmem:$0x1B280] =	vst v63  }
0x15a: {  	s24 =	simm.s32 $0x3280  }
0x15b: {  	[tilespmem:s24], [sflag:$0x1] =	stream.indirect_vreg.gather [hbm4b:s1+s3], $0x80, v3, vm0, $0xb8;
	[tilespmem:$0x1B280] =	vst v63  }
0x15c: {  	s26 =	simm.s32 $0x3A80  }
0x15d: {  	[tilespmem:s26], [sflag:$0x1] =	stream.indirect_vreg.gather [hbm4b:s4+s3], $0x80, v3, vm0, $0xb8;
	[tilespmem:$0x1B280] =	vst v63  }
0x15e: {  	v3 =	vld [tilespmem:$0xF8];
	_ =	sdelay $0x4  }
0x15f: {  	v41 =	vshll.u32 v3, $0x2  }
0x160: {  	v3 =	vand.u32 $0x7, v3;
	v4 =	vand.u32 $0xFFFFFFE0, v41  }
0x161: {  	v3 =	vor.u32 v3, v4  }
0x162: {  	v4 =	vperm.xlane v3, v0;
	_ =	sdelay $0x1  }
0x163: {  	v4 =	vadd.s32 v1, v4;
	_ =	sdelay $0x1  }
0x164: {  	v3 =	vperm.xlane v3, v2;
	_ =	sdelay $0x1  }
0x165: {  	s26 =	simm.s32 $0x4280;
	v3 =	vadd.s32 v1, v3  }
0x166: {  	[tilespmem:s26], [sflag:$0x1] =	stream.indirect_vreg.gather [hbm4b:s1+s3], $0x80, v4, vm0, $0xb8;
	[tilespmem:$0x1B280] =	vst v63  }
0x167: {  	s21 =	simm.s32 $0x4A80  }
0x168: {  	[tilespmem:s21], [sflag:$0x1] =	stream.indirect_vreg.gather [hbm4b:s4+s3], $0x80, v4, vm0, $0xb8;
	[tilespmem:$0x1B280] =	vst v63  }
0x169: {  	s21 =	simm.s32 $0x5280  }
0x16a: {  	[tilespmem:s21], [sflag:$0x1] =	stream.indirect_vreg.gather [hbm4b:s1+s3], $0x80, v3, vm0, $0xb8;
	[tilespmem:$0x1B280] =	vst v63  }
0x16b: {  	s30 =	simm.s32 $0x5A80  }
0x16c: {  	[tilespmem:s30], [sflag:$0x1] =	stream.indirect_vreg.gather [hbm4b:s4+s3], $0x80, v3, vm0, $0xb8;
	[tilespmem:$0x1B280] =	vst v63  }
0x16d: {  	v3 =	vld [tilespmem:$0x108];
	_ =	sdelay $0x4  }
0x16e: {  	v42 =	vshll.u32 v3, $0x2  }
0x16f: {  	v3 =	vand.u32 $0x7, v3;
	v4 =	vand.u32 $0xFFFFFFE0, v42  }
0x170: {  	v3 =	vor.u32 v3, v4  }
0x171: {  	v4 =	vperm.xlane v3, v0;
	_ =	sdelay $0x1  }
0x172: {  	v4 =	vadd.s32 v1, v4;
	_ =	sdelay $0x1  }
0x173: {  	v3 =	vperm.xlane v3, v2;
	_ =	sdelay $0x1  }
0x174: {  	s30 =	simm.s32 $0x6280;
	v3 =	vadd.s32 v1, v3  }
0x175: {  	[tilespmem:s30], [sflag:$0x1] =	stream.indirect_vreg.gather [hbm4b:s1+s3], $0x80, v4, vm0, $0xb8;
	[tilespmem:$0x1B280] =	vst v63  }
0x176: {  	s22 =	simm.s32 $0x6A80  }
0x177: {  	[tilespmem:s22], [sflag:$0x1] =	stream.indirect_vreg.gather [hbm4b:s4+s3], $0x80, v4, vm0, $0xb8;
	[tilespmem:$0x1B280] =	vst v63  }
0x178: {  	s2 =	simm.s32 $0x7280  }
0x179: {  	[tilespmem:s2], [sflag:$0x1] =	stream.indirect_vreg.gather [hbm4b:s1+s3], $0x80, v3, vm0, $0xb8;
	[tilespmem:$0x1B280] =	vst v63  }
0x17a: {  	s25 =	simm.s32 $0x7A80  }
0x17b: {  	[tilespmem:s25], [sflag:$0x1] =	stream.indirect_vreg.gather [hbm4b:s4+s3], $0x80, v3, vm0, $0xb8;
	[tilespmem:$0x1B280] =	vst v63  }
0x17c: {  	v3 =	vld.msk [tilespmem:$0x118], $0xff;
	_ =	sdelay $0x4  }
0x17d: {  	v43 =	vshll.u32 v3, $0x2  }
0x17e: {  	v3 =	vand.u32 $0x7, v3;
	v4 =	vand.u32 $0xFFFFFFE0, v43  }
0x17f: {  	v3 =	vor.u32 v3, v4  }
0x180: {  	v3 =	vperm.xlane v3, v0;
	_ =	sdelay $0x1  }
0x181: {  	v3 =	vadd.s32 v1, v3;
	_ =	sdelay $0x3  }
0x182: {  	s10 =	simm.s32 $0x8280  }
0x183: {  	[tilespmem:s10], [sflag:$0x1] =	stream.indirect_vreg.gather [hbm4b:s1+s3], $0x80, v3, vm0, $0xb8;
	[tilespmem:$0x1B280] =	vst v63  }
0x184: {  	s5 =	simm.s32 $0x8A80;
	s22 =	simm.s32 $0x3  }
0x185: {  	[tilespmem:s5], [sflag:$0x1] =	stream.indirect_vreg.gather [hbm4b:s4+s3], $0x80, v3, vm0, $0xb8;
	[tilespmem:$0x1B280] =	vst v63  }
0x186: {  	_ =	swait.ge [sflag:s22], $0x9000  }
0x187: {  	[sflag:s22] =	ssyncset.done $0x0  }
0x188: {  	s6 =	simm.s32 $0x12280;
	s5 =	rddreg [dreg:$0xa];
	[sflag:s22] =	ssyncadd.s32 $0xFFFF7000  }
0x189: {  	[hbm4b:s5+s3] =	stream.linear.scatter [tilespmem:s6], [sflag:$0x6], $0x800, $0x38;
	[tilespmem:$0x1B280] =	vst v63  }
0x18a: {  	s25 =	simm.s32 $0x13280;
	s10 =	sadd.s32 $0x100, s5  }
0x18b: {  	[hbm4b:s10+s3] =	stream.linear.scatter [tilespmem:s25], [sflag:$0x6], $0x800, $0x38;
	[tilespmem:$0x1B280] =	vst v63  }
0x18c: {  	s10 =	sadd.s32 $0x200, s5;
	s25 =	simm.s32 $0x14280  }
0x18d: {  	[hbm4b:s10+s3] =	stream.linear.scatter [tilespmem:s25], [sflag:$0x6], $0x800, $0x38;
	[tilespmem:$0x1B280] =	vst v63  }
0x18e: {  	s10 =	sadd.s32 $0x300, s5;
	s25 =	simm.s32 $0x15280  }
0x18f: {  	[hbm4b:s10+s3] =	stream.linear.scatter [tilespmem:s25], [sflag:$0x6], $0x800, $0x38;
	[tilespmem:$0x1B280] =	vst v63  }
0x190: {  	s10 =	sadd.s32 $0x400, s5;
	s25 =	simm.s32 $0x16280  }
0x191: {  	[hbm4b:s10+s3] =	stream.linear.scatter [tilespmem:s25], [sflag:$0x6], $0x800, $0x38;
	[tilespmem:$0x1B280] =	vst v63  }
0x192: {  	s6 =	sadd.s32 $0x500, s5;
	s10 =	simm.s32 $0x17280  }
0x193: {  	[hbm4b:s6+s3] =	stream.linear.scatter [tilespmem:s10], [sflag:$0x6], $0x800, $0x38;
	[tilespmem:$0x1B280] =	vst v63  }
0x194: {  	s28 =	simm.s32 $0x18280;
	s25 =	sadd.s32 $0x600, s5  }
0x195: {  	[hbm4b:s25+s3] =	stream.linear.scatter [tilespmem:s28], [sflag:$0x6], $0x800, $0x38;
	[tilespmem:$0x1B280] =	vst v63  }
0x196: {  	s23 =	simm.s32 $0x19280;
	s6 =	sadd.s32 $0x700, s5  }
0x197: {  	[hbm4b:s6+s3] =	stream.linear.scatter [tilespmem:s23], [sflag:$0x6], $0x800, $0x38;
	[tilespmem:$0x1B280] =	vst v63  }
0x198: {  	s7 =	simm.s32 $0x1A280;
	s10 =	sadd.s32 $0x800, s5  }
0x199: {  	[hbm4b:s10+s3] =	stream.linear.scatter [tilespmem:s7], [sflag:$0x6], $0x800, $0x38;
	[tilespmem:$0x1B280] =	vst v63  }
0x19a: {  	s5 =	simm.s32 $0x12A80;
	s10 =	rddreg [dreg:$0xb]  }
0x19b: {  	[hbm4b:s10+s3] =	stream.linear.scatter [tilespmem:s5], [sflag:$0x6], $0x800, $0x38;
	[tilespmem:$0x1B280] =	vst v63  }
0x19c: {  	s7 =	simm.s32 $0x13A80;
	s23 =	sadd.s32 $0x100, s10  }
0x19d: {  	[hbm4b:s23+s3] =	stream.linear.scatter [tilespmem:s7], [sflag:$0x6], $0x800, $0x38;
	[tilespmem:$0x1B280] =	vst v63  }
0x19e: {  	s28 =	simm.s32 $0x14A80;
	s25 =	sadd.s32 $0x200, s10  }
0x19f: {  	[hbm4b:s25+s3] =	stream.linear.scatter [tilespmem:s28], [sflag:$0x6], $0x800, $0x38;
	[tilespmem:$0x1B280] =	vst v63  }
0x1a0: {  	s6 =	sadd.s32 $0x300, s10;
	s23 =	simm.s32 $0x15A80  }
0x1a1: {  	[hbm4b:s6+s3] =	stream.linear.scatter [tilespmem:s23], [sflag:$0x6], $0x800, $0x38;
	[tilespmem:$0x1B280] =	vst v63  }
0x1a2: {  	s25 =	sadd.s32 $0x400, s10;
	s6 =	simm.s32 $0x16A80  }
0x1a3: {  	[hbm4b:s25+s3] =	stream.linear.scatter [tilespmem:s6], [sflag:$0x6], $0x800, $0x38;
	[tilespmem:$0x1B280] =	vst v63  }
0x1a4: {  	s23 =	sadd.s32 $0x500, s10;
	s25 =	simm.s32 $0x17A80  }
0x1a5: {  	[hbm4b:s23+s3] =	stream.linear.scatter [tilespmem:s25], [sflag:$0x6], $0x800, $0x38;
	[tilespmem:$0x1B280] =	vst v63  }
0x1a6: {  	s6 =	sadd.s32 $0x600, s10;
	s23 =	simm.s32 $0x18A80  }
0x1a7: {  	[hbm4b:s6+s3] =	stream.linear.scatter [tilespmem:s23], [sflag:$0x6], $0x800, $0x38;
	[tilespmem:$0x1B280] =	vst v63  }
0x1a8: {  	s25 =	sadd.s32 $0x700, s10;
	s6 =	simm.s32 $0x19A80  }
0x1a9: {  	[hbm4b:s25+s3] =	stream.linear.scatter [tilespmem:s6], [sflag:$0x6], $0x800, $0x38;
	[tilespmem:$0x1B280] =	vst v63  }
0x1aa: {  	s10 =	sadd.s32 $0x800, s10;
	s23 =	simm.s32 $0x1AA80  }
0x1ab: {  	[hbm4b:s10+s3] =	stream.linear.scatter [tilespmem:s23], [sflag:$0x6], $0x800, $0x38;
	[tilespmem:$0x1B280] =	vst v63  }
0x1ac: {  	_ =	swait.ge [sflag:s31], $0x4800  }
0x1ad: {  	[sflag:s31] =	ssyncset.done $0x0  }
0x1ae: {  	[sflag:s31] =	ssyncadd.s32 $0xFFFFB800  }
0x1af: {  	_ =	swait.ge [sflag:s31], $0x4800  }
0x1b0: {  	[sflag:s31] =	ssyncset.done $0x0  }
0x1b1: {  	[sflag:s31] =	ssyncadd.s32 $0xFFFFB800  }
0x1b2: {  	v3 =	vld [tilespmem:$0x120];
	_ =	sdelay $0x4  }
0x1b3: {  	v44 =	vshll.u32 v3, $0x2  }
0x1b4: {  	v3 =	vand.u32 $0x7, v3;
	v4 =	vand.u32 $0xFFFFFFE0, v44  }
0x1b5: {  	v3 =	vor.u32 v3, v4  }
0x1b6: {  	v4 =	vperm.xlane v3, v0;
	_ =	sdelay $0x1  }
0x1b7: {  	v4 =	vadd.s32 v1, v4;
	_ =	sdelay $0x1  }
0x1b8: {  	v3 =	vperm.xlane v3, v2;
	_ =	sdelay $0x1  }
0x1b9: {  	s25 =	simm.s32 $0x9280;
	v3 =	vadd.s32 v1, v3  }
0x1ba: {  	[tilespmem:s25], [sflag:$0x2] =	stream.indirect_vreg.gather [hbm4b:s1+s3], $0x80, v4, vm0, $0xb8;
	[tilespmem:$0x1B280] =	vst v63  }
0x1bb: {  	s28 =	simm.s32 $0x9A80  }
0x1bc: {  	[tilespmem:s28], [sflag:$0x2] =	stream.indirect_vreg.gather [hbm4b:s4+s3], $0x80, v4, vm0, $0xb8;
	[tilespmem:$0x1B280] =	vst v63  }
0x1bd: {  	s6 =	simm.s32 $0xA280  }
0x1be: {  	[tilespmem:s6], [sflag:$0x2] =	stream.indirect_vreg.gather [hbm4b:s1+s3], $0x80, v3, vm0, $0xb8;
	[tilespmem:$0x1B280] =	vst v63  }
0x1bf: {  	s10 =	simm.s32 $0xAA80  }
0x1c0: {  	[tilespmem:s10], [sflag:$0x2] =	stream.indirect_vreg.gather [hbm4b:s4+s3], $0x80, v3, vm0, $0xb8;
	[tilespmem:$0x1B280] =	vst v63  }
0x1c1: {  	v3 =	vld [tilespmem:$0x130];
	_ =	sdelay $0x4  }
0x1c2: {  	v45 =	vshll.u32 v3, $0x2  }
0x1c3: {  	v3 =	vand.u32 $0x7, v3;
	v4 =	vand.u32 $0xFFFFFFE0, v45  }
0x1c4: {  	v3 =	vor.u32 v3, v4  }
0x1c5: {  	v4 =	vperm.xlane v3, v0;
	_ =	sdelay $0x1  }
0x1c6: {  	v4 =	vadd.s32 v1, v4;
	_ =	sdelay $0x1  }
0x1c7: {  	v3 =	vperm.xlane v3, v2;
	_ =	sdelay $0x1  }
0x1c8: {  	s23 =	simm.s32 $0xB280;
	v3 =	vadd.s32 v1, v3  }
0x1c9: {  	[tilespmem:s23], [sflag:$0x2] =	stream.indirect_vreg.gather [hbm4b:s1+s3], $0x80, v4, vm0, $0xb8;
	[tilespmem:$0x1B280] =	vst v63  }
0x1ca: {  	s25 =	simm.s32 $0xBA80  }
0x1cb: {  	[tilespmem:s25], [sflag:$0x2] =	stream.indirect_vreg.gather [hbm4b:s4+s3], $0x80, v4, vm0, $0xb8;
	[tilespmem:$0x1B280] =	vst v63  }
0x1cc: {  	s28 =	simm.s32 $0xC280  }
0x1cd: {  	[tilespmem:s28], [sflag:$0x2] =	stream.indirect_vreg.gather [hbm4b:s1+s3], $0x80, v3, vm0, $0xb8;
	[tilespmem:$0x1B280] =	vst v63  }
0x1ce: {  	s6 =	simm.s32 $0xCA80  }
0x1cf: {  	[tilespmem:s6], [sflag:$0x2] =	stream.indirect_vreg.gather [hbm4b:s4+s3], $0x80, v3, vm0, $0xb8;
	[tilespmem:$0x1B280] =	vst v63  }
0x1d0: {  	v3 =	vld [tilespmem:$0x140];
	_ =	sdelay $0x4  }
0x1d1: {  	v46 =	vshll.u32 v3, $0x2  }
0x1d2: {  	v3 =	vand.u32 $0x7, v3;
	v4 =	vand.u32 $0xFFFFFFE0, v46  }
0x1d3: {  	v3 =	vor.u32 v3, v4  }
0x1d4: {  	v4 =	vperm.xlane v3, v0;
	_ =	sdelay $0x1  }
0x1d5: {  	v4 =	vadd.s32 v1, v4;
	_ =	sdelay $0x1  }
0x1d6: {  	v3 =	vperm.xlane v3, v2;
	_ =	sdelay $0x1  }
0x1d7: {  	s25 =	simm.s32 $0xD280;
	v3 =	vadd.s32 v1, v3  }
0x1d8: {  	[tilespmem:s25], [sflag:$0x2] =	stream.indirect_vreg.gather [hbm4b:s1+s3], $0x80, v4, vm0, $0xb8;
	[tilespmem:$0x1B280] =	vst v63  }
0x1d9: {  	s8 =	simm.s32 $0xDA80  }
0x1da: {  	[tilespmem:s8], [sflag:$0x2] =	stream.indirect_vreg.gather [hbm4b:s4+s3], $0x80, v4, vm0, $0xb8;
	[tilespmem:$0x1B280] =	vst v63  }
0x1db: {  	s23 =	simm.s32 $0xE280  }
0x1dc: {  	[tilespmem:s23], [sflag:$0x2] =	stream.indirect_vreg.gather [hbm4b:s1+s3], $0x80, v3, vm0, $0xb8;
	[tilespmem:$0x1B280] =	vst v63  }
0x1dd: {  	s8 =	simm.s32 $0xEA80  }
0x1de: {  	[tilespmem:s8], [sflag:$0x2] =	stream.indirect_vreg.gather [hbm4b:s4+s3], $0x80, v3, vm0, $0xb8;
	[tilespmem:$0x1B280] =	vst v63  }
0x1df: {  	v3 =	vld [tilespmem:$0x150];
	_ =	sdelay $0x4  }
0x1e0: {  	v47 =	vshll.u32 v3, $0x2  }
0x1e1: {  	v3 =	vand.u32 $0x7, v3;
	v4 =	vand.u32 $0xFFFFFFE0, v47  }
0x1e2: {  	v3 =	vor.u32 v3, v4  }
0x1e3: {  	v4 =	vperm.xlane v3, v0;
	_ =	sdelay $0x1  }
0x1e4: {  	v4 =	vadd.s32 v1, v4;
	_ =	sdelay $0x1  }
0x1e5: {  	v3 =	vperm.xlane v3, v2;
	_ =	sdelay $0x1  }
0x1e6: {  	s6 =	simm.s32 $0xF280;
	v3 =	vadd.s32 v1, v3  }
0x1e7: {  	[tilespmem:s6], [sflag:$0x2] =	stream.indirect_vreg.gather [hbm4b:s1+s3], $0x80, v4, vm0, $0xb8;
	[tilespmem:$0x1B280] =	vst v63  }
0x1e8: {  	s10 =	simm.s32 $0xFA80  }
0x1e9: {  	[tilespmem:s10], [sflag:$0x2] =	stream.indirect_vreg.gather [hbm4b:s4+s3], $0x80, v4, vm0, $0xb8;
	[tilespmem:$0x1B280] =	vst v63  }
0x1ea: {  	s8 =	simm.s32 $0x10280  }
0x1eb: {  	[tilespmem:s8], [sflag:$0x2] =	stream.indirect_vreg.gather [hbm4b:s1+s3], $0x80, v3, vm0, $0xb8;
	[tilespmem:$0x1B280] =	vst v63  }
0x1ec: {  	s28 =	simm.s32 $0x10A80  }
0x1ed: {  	[tilespmem:s28], [sflag:$0x2] =	stream.indirect_vreg.gather [hbm4b:s4+s3], $0x80, v3, vm0, $0xb8;
	[tilespmem:$0x1B280] =	vst v63  }
0x1ee: {  	v3 =	vld.msk [tilespmem:$0x160], $0xff;
	_ =	sdelay $0x4  }
0x1ef: {  	v48 =	vshll.u32 v3, $0x2  }
0x1f0: {  	v3 =	vand.u32 $0x7, v3;
	v4 =	vand.u32 $0xFFFFFFE0, v48  }
0x1f1: {  	v3 =	vor.u32 v3, v4  }
0x1f2: {  	v3 =	vperm.xlane v3, v0;
	_ =	sdelay $0x1  }
0x1f3: {  	v3 =	vadd.s32 v1, v3;
	_ =	sdelay $0x3  }
0x1f4: {  	s9 =	simm.s32 $0x11280  }
0x1f5: {  	[tilespmem:s9], [sflag:$0x2] =	stream.indirect_vreg.gather [hbm4b:s1+s3], $0x80, v3, vm0, $0xb8;
	[tilespmem:$0x1B280] =	vst v63  }
0x1f6: {  	s28 =	simm.s32 $0x11A80;
	s9 =	simm.s32 $0x1  }
0x1f7: {  	[tilespmem:s28], [sflag:$0x2] =	stream.indirect_vreg.gather [hbm4b:s4+s3], $0x80, v3, vm0, $0xb8;
	[tilespmem:$0x1B280] =	vst v63  }
0x1f8: {  	_ =	swait.ge [sflag:s9], $0x9000  }
0x1f9: {  	[sflag:s9] =	ssyncset.done $0x0  }
0x1fa: {  	s10 =	simm.s32 $0x280;
	[sflag:s9] =	ssyncadd.s32 $0xFFFF7000;
	s9 =	rddreg [dreg:$0xc]  }
0x1fb: {  	[hbm4b:s9+s3] =	stream.linear.scatter [tilespmem:s10], [sflag:$0x4], $0x800, $0x38;
	[tilespmem:$0x1B280] =	vst v63  }
0x1fc: {  	s0 =	sadd.s32 $0x100, s9;
	s10 =	simm.s32 $0x1280  }
0x1fd: {  	[hbm4b:s0+s3] =	stream.linear.scatter [tilespmem:s10], [sflag:$0x4], $0x800, $0x38;
	[tilespmem:$0x1B280] =	vst v63  }
0x1fe: {  	s11 =	simm.s32 $0x2280;
	s10 =	sadd.s32 $0x200, s9  }
0x1ff: {  	[hbm4b:s10+s3] =	stream.linear.scatter [tilespmem:s11], [sflag:$0x4], $0x800, $0x38;
	[tilespmem:$0x1B280] =	vst v63  }
0x200: {  	s10 =	sadd.s32 $0x300, s9  }
0x201: {  	[hbm4b:s10+s3] =	stream.linear.scatter [tilespmem:s24], [sflag:$0x4], $0x800, $0x38;
	[tilespmem:$0x1B280] =	vst v63  }
0x202: {  	s11 =	sadd.s32 $0x400, s9  }
0x203: {  	[hbm4b:s11+s3] =	stream.linear.scatter [tilespmem:s26], [sflag:$0x4], $0x800, $0x38;
	[tilespmem:$0x1B280] =	vst v63  }
0x204: {  	s24 =	sadd.s32 $0x500, s9  }
0x205: {  	[hbm4b:s24+s3] =	stream.linear.scatter [tilespmem:s21], [sflag:$0x4], $0x800, $0x38;
	[tilespmem:$0x1B280] =	vst v63  }
0x206: {  	s26 =	sadd.s32 $0x600, s9  }
0x207: {  	[hbm4b:s26+s3] =	stream.linear.scatter [tilespmem:s30], [sflag:$0x4], $0x800, $0x38;
	[tilespmem:$0x1B280] =	vst v63  }
0x208: {  	s10 =	sadd.s32 $0x700, s9  }
0x209: {  	[hbm4b:s10+s3] =	stream.linear.scatter [tilespmem:s2], [sflag:$0x4], $0x800, $0x38;
	[tilespmem:$0x1B280] =	vst v63  }
0x20a: {  	s11 =	sadd.s32 $0x800, s9;
	s21 =	simm.s32 $0x8280  }
0x20b: {  	[hbm4b:s11+s3] =	stream.linear.scatter [tilespmem:s21], [sflag:$0x4], $0x800, $0x38;
	[tilespmem:$0x1B280] =	vst v63  }
0x20c: {  	s24 =	simm.s32 $0xA80  }
0x20d: {  	[hbm4b:s12+s3] =	stream.linear.scatter [tilespmem:s24], [sflag:$0x4], $0x800, $0x38;
	[tilespmem:$0x1B280] =	vst v63  }
0x20e: {  	s26 =	sadd.s32 $0x100, s12;
	s30 =	simm.s32 $0x1A80  }
0x20f: {  	[hbm4b:s26+s3] =	stream.linear.scatter [tilespmem:s30], [sflag:$0x4], $0x800, $0x38;
	[tilespmem:$0x1B280] =	vst v63  }
0x210: {  	s9 =	simm.s32 $0x2A80;
	s2 =	sadd.s32 $0x200, s12  }
0x211: {  	[hbm4b:s2+s3] =	stream.linear.scatter [tilespmem:s9], [sflag:$0x4], $0x800, $0x38;
	[tilespmem:$0x1B280] =	vst v63  }
0x212: {  	s10 =	sadd.s32 $0x300, s12;
	s11 =	simm.s32 $0x3A80  }
0x213: {  	[hbm4b:s10+s3] =	stream.linear.scatter [tilespmem:s11], [sflag:$0x4], $0x800, $0x38;
	[tilespmem:$0x1B280] =	vst v63  }
0x214: {  	s21 =	sadd.s32 $0x400, s12;
	s24 =	simm.s32 $0x4A80  }
0x215: {  	[hbm4b:s21+s3] =	stream.linear.scatter [tilespmem:s24], [sflag:$0x4], $0x800, $0x38;
	[tilespmem:$0x1B280] =	vst v63  }
0x216: {  	s26 =	sadd.s32 $0x500, s12;
	s30 =	simm.s32 $0x5A80  }
0x217: {  	[hbm4b:s26+s3] =	stream.linear.scatter [tilespmem:s30], [sflag:$0x4], $0x800, $0x38;
	[tilespmem:$0x1B280] =	vst v63  }
0x218: {  	s2 =	sadd.s32 $0x600, s12;
	s9 =	simm.s32 $0x6A80  }
0x219: {  	[hbm4b:s2+s3] =	stream.linear.scatter [tilespmem:s9], [sflag:$0x4], $0x800, $0x38;
	[tilespmem:$0x1B280] =	vst v63  }
0x21a: {  	s10 =	sadd.s32 $0x700, s12;
	s11 =	simm.s32 $0x7A80  }
0x21b: {  	[hbm4b:s10+s3] =	stream.linear.scatter [tilespmem:s11], [sflag:$0x4], $0x800, $0x38;
	[tilespmem:$0x1B280] =	vst v63  }
0x21c: {  	s21 =	sadd.s32 $0x800, s12;
	s24 =	simm.s32 $0x8A80  }
0x21d: {  	[hbm4b:s21+s3] =	stream.linear.scatter [tilespmem:s24], [sflag:$0x4], $0x800, $0x38;
	[tilespmem:$0x1B280] =	vst v63  }
0x21e: {  	s24 =	simm.s32 $0x6  }
0x21f: {  	_ =	swait.ge [sflag:s24], $0x4800  }
0x220: {  	[sflag:s24] =	ssyncset.done $0x0  }
0x221: {  	[sflag:s24] =	ssyncadd.s32 $0xFFFFB800  }
0x222: {  	_ =	swait.ge [sflag:s24], $0x4800  }
0x223: {  	[sflag:s24] =	ssyncset.done $0x0  }
0x224: {  	[sflag:s24] =	ssyncadd.s32 $0xFFFFB800  }
0x225: {  	v3 =	vld [tilespmem:$0x168];
	_ =	sdelay $0x4  }
0x226: {  	v49 =	vshll.u32 v3, $0x2  }
0x227: {  	v3 =	vand.u32 $0x7, v3;
	v4 =	vand.u32 $0xFFFFFFE0, v49  }
0x228: {  	v3 =	vor.u32 v3, v4  }
0x229: {  	v4 =	vperm.xlane v3, v0;
	_ =	sdelay $0x1  }
0x22a: {  	v4 =	vadd.s32 v1, v4;
	_ =	sdelay $0x1  }
0x22b: {  	v3 =	vperm.xlane v3, v2;
	_ =	sdelay $0x1  }
0x22c: {  	s26 =	simm.s32 $0x12280;
	v3 =	vadd.s32 v1, v3  }
0x22d: {  	[tilespmem:s26], [sflag:$0x3] =	stream.indirect_vreg.gather [hbm4b:s1+s3], $0x80, v4, vm0, $0xb8;
	[tilespmem:$0x1B280] =	vst v63  }
0x22e: {  	_ = 	snop  }
0x22f: {  	[tilespmem:s5], [sflag:$0x3] =	stream.indirect_vreg.gather [hbm4b:s4+s3], $0x80, v4, vm0, $0xb8;
	[tilespmem:$0x1B280] =	vst v63  }
0x230: {  	s30 =	simm.s32 $0x13280  }
0x231: {  	[tilespmem:s30], [sflag:$0x3] =	stream.indirect_vreg.gather [hbm4b:s1+s3], $0x80, v3, vm0, $0xb8;
	[tilespmem:$0x1B280] =	vst v63  }
0x232: {  	_ = 	snop  }
0x233: {  	[tilespmem:s7], [sflag:$0x3] =	stream.indirect_vreg.gather [hbm4b:s4+s3], $0x80, v3, vm0, $0xb8;
	[tilespmem:$0x1B280] =	vst v63  }
0x234: {  	v3 =	vld [tilespmem:$0x178];
	_ =	sdelay $0x4  }
0x235: {  	v50 =	vshll.u32 v3, $0x2  }
0x236: {  	v3 =	vand.u32 $0x7, v3;
	v4 =	vand.u32 $0xFFFFFFE0, v50  }
0x237: {  	v3 =	vor.u32 v3, v4  }
0x238: {  	v4 =	vperm.xlane v3, v0;
	_ =	sdelay $0x1  }
0x239: {  	v4 =	vadd.s32 v1, v4;
	_ =	sdelay $0x1  }
0x23a: {  	v3 =	vperm.xlane v3, v2;
	_ =	sdelay $0x1  }
0x23b: {  	s30 =	simm.s32 $0x14280;
	v3 =	vadd.s32 v1, v3  }
0x23c: {  	[tilespmem:s30], [sflag:$0x3] =	stream.indirect_vreg.gather [hbm4b:s1+s3], $0x80, v4, vm0, $0xb8;
	[tilespmem:$0x1B280] =	vst v63  }
0x23d: {  	s2 =	simm.s32 $0x14A80  }
0x23e: {  	[tilespmem:s2], [sflag:$0x3] =	stream.indirect_vreg.gather [hbm4b:s4+s3], $0x80, v4, vm0, $0xb8;
	[tilespmem:$0x1B280] =	vst v63  }
0x23f: {  	s26 =	simm.s32 $0x15280  }
0x240: {  	[tilespmem:s26], [sflag:$0x3] =	stream.indirect_vreg.gather [hbm4b:s1+s3], $0x80, v3, vm0, $0xb8;
	[tilespmem:$0x1B280] =	vst v63  }
0x241: {  	s5 =	simm.s32 $0x15A80  }
0x242: {  	[tilespmem:s5], [sflag:$0x3] =	stream.indirect_vreg.gather [hbm4b:s4+s3], $0x80, v3, vm0, $0xb8;
	[tilespmem:$0x1B280] =	vst v63  }
0x243: {  	v3 =	vld [tilespmem:$0x188];
	_ =	sdelay $0x4  }
0x244: {  	v51 =	vshll.u32 v3, $0x2  }
0x245: {  	v3 =	vand.u32 $0x7, v3;
	v4 =	vand.u32 $0xFFFFFFE0, v51  }
0x246: {  	v3 =	vor.u32 v3, v4  }
0x247: {  	v4 =	vperm.xlane v3, v0;
	_ =	sdelay $0x1  }
0x248: {  	v4 =	vadd.s32 v1, v4;
	_ =	sdelay $0x1  }
0x249: {  	v3 =	vperm.xlane v3, v2;
	_ =	sdelay $0x1  }
0x24a: {  	s21 =	simm.s32 $0x16280;
	v3 =	vadd.s32 v1, v3  }
0x24b: {  	[tilespmem:s21], [sflag:$0x3] =	stream.indirect_vreg.gather [hbm4b:s1+s3], $0x80, v4, vm0, $0xb8;
	[tilespmem:$0x1B280] =	vst v63  }
0x24c: {  	s7 =	simm.s32 $0x16A80  }
0x24d: {  	[tilespmem:s7], [sflag:$0x3] =	stream.indirect_vreg.gather [hbm4b:s4+s3], $0x80, v4, vm0, $0xb8;
	[tilespmem:$0x1B280] =	vst v63  }
0x24e: {  	s7 =	simm.s32 $0x17280  }
0x24f: {  	[tilespmem:s7], [sflag:$0x3] =	stream.indirect_vreg.gather [hbm4b:s1+s3], $0x80, v3, vm0, $0xb8;
	[tilespmem:$0x1B280] =	vst v63  }
0x250: {  	s9 =	simm.s32 $0x17A80  }
0x251: {  	[tilespmem:s9], [sflag:$0x3] =	stream.indirect_vreg.gather [hbm4b:s4+s3], $0x80, v3, vm0, $0xb8;
	[tilespmem:$0x1B280] =	vst v63  }
0x252: {  	v3 =	vld [tilespmem:$0x198];
	_ =	sdelay $0x4  }
0x253: {  	v52 =	vshll.u32 v3, $0x2  }
0x254: {  	v3 =	vand.u32 $0x7, v3;
	v4 =	vand.u32 $0xFFFFFFE0, v52  }
0x255: {  	v3 =	vor.u32 v3, v4  }
0x256: {  	v4 =	vperm.xlane v3, v0;
	_ =	sdelay $0x1  }
0x257: {  	v4 =	vadd.s32 v1, v4;
	_ =	sdelay $0x1  }
0x258: {  	v3 =	vperm.xlane v3, v2;
	_ =	sdelay $0x1  }
0x259: {  	s2 =	simm.s32 $0x18280;
	v3 =	vadd.s32 v1, v3  }
0x25a: {  	[tilespmem:s2], [sflag:$0x3] =	stream.indirect_vreg.gather [hbm4b:s1+s3], $0x80, v4, vm0, $0xb8;
	[tilespmem:$0x1B280] =	vst v63  }
0x25b: {  	s10 =	simm.s32 $0x18A80  }
0x25c: {  	[tilespmem:s10], [sflag:$0x3] =	stream.indirect_vreg.gather [hbm4b:s4+s3], $0x80, v4, vm0, $0xb8;
	[tilespmem:$0x1B280] =	vst v63  }
0x25d: {  	s9 =	simm.s32 $0x19280  }
0x25e: {  	[tilespmem:s9], [sflag:$0x3] =	stream.indirect_vreg.gather [hbm4b:s1+s3], $0x80, v3, vm0, $0xb8;
	[tilespmem:$0x1B280] =	vst v63  }
0x25f: {  	s5 =	simm.s32 $0x19A80  }
0x260: {  	[tilespmem:s5], [sflag:$0x3] =	stream.indirect_vreg.gather [hbm4b:s4+s3], $0x80, v3, vm0, $0xb8;
	[tilespmem:$0x1B280] =	vst v63  }
0x261: {  	v3 =	vld.msk [tilespmem:$0x1A8], $0xff;
	_ =	sdelay $0x4  }
0x262: {  	v53 =	vshll.u32 v3, $0x2  }
0x263: {  	v3 =	vand.u32 $0x7, v3;
	v4 =	vand.u32 $0xFFFFFFE0, v53  }
0x264: {  	v3 =	vor.u32 v3, v4  }
0x265: {  	v3 =	vperm.xlane v3, v0;
	_ =	sdelay $0x1  }
0x266: {  	v3 =	vadd.s32 v1, v3;
	_ =	sdelay $0x3  }
0x267: {  	s5 =	simm.s32 $0x1A280  }
0x268: {  	[tilespmem:s5], [sflag:$0x3] =	stream.indirect_vreg.gather [hbm4b:s1+s3], $0x80, v3, vm0, $0xb8;
	[tilespmem:$0x1B280] =	vst v63  }
0x269: {  	s10 =	simm.s32 $0x1AA80  }
0x26a: {  	[tilespmem:s10], [sflag:$0x3] =	stream.indirect_vreg.gather [hbm4b:s4+s3], $0x80, v3, vm0, $0xb8;
	[tilespmem:$0x1B280] =	vst v63  }
0x26b: {  	s10 =	simm.s32 $0x2  }
0x26c: {  	_ =	swait.ge [sflag:s10], $0x9000  }
0x26d: {  	[sflag:s10] =	ssyncset.done $0x0  }
0x26e: {  	[sflag:s10] =	ssyncadd.s32 $0xFFFF7000;
	s10 =	simm.s32 $0x9280  }
0x26f: {  	[hbm4b:s13+s3] =	stream.linear.scatter [tilespmem:s10], [sflag:$0x5], $0x800, $0x38;
	[tilespmem:$0x1B280] =	vst v63  }
0x270: {  	s0 =	sadd.s32 $0x100, s13;
	s10 =	simm.s32 $0xA280  }
0x271: {  	[hbm4b:s0+s3] =	stream.linear.scatter [tilespmem:s10], [sflag:$0x5], $0x800, $0x38;
	[tilespmem:$0x1B280] =	vst v63  }
0x272: {  	s0 =	sadd.s32 $0x200, s13;
	s10 =	simm.s32 $0xB280  }
0x273: {  	[hbm4b:s0+s3] =	stream.linear.scatter [tilespmem:s10], [sflag:$0x5], $0x800, $0x38;
	[tilespmem:$0x1B280] =	vst v63  }
0x274: {  	s0 =	sadd.s32 $0x300, s13;
	s10 =	simm.s32 $0xC280  }
0x275: {  	[hbm4b:s0+s3] =	stream.linear.scatter [tilespmem:s10], [sflag:$0x5], $0x800, $0x38;
	[tilespmem:$0x1B280] =	vst v63  }
0x276: {  	s10 =	sadd.s32 $0x400, s13  }
0x277: {  	[hbm4b:s10+s3] =	stream.linear.scatter [tilespmem:s25], [sflag:$0x5], $0x800, $0x38;
	[tilespmem:$0x1B280] =	vst v63  }
0x278: {  	s10 =	sadd.s32 $0x500, s13  }
0x279: {  	[hbm4b:s10+s3] =	stream.linear.scatter [tilespmem:s23], [sflag:$0x5], $0x800, $0x38;
	[tilespmem:$0x1B280] =	vst v63  }
0x27a: {  	s25 =	sadd.s32 $0x600, s13  }
0x27b: {  	[hbm4b:s25+s3] =	stream.linear.scatter [tilespmem:s6], [sflag:$0x5], $0x800, $0x38;
	[tilespmem:$0x1B280] =	vst v63  }
0x27c: {  	s10 =	sadd.s32 $0x700, s13  }
0x27d: {  	[hbm4b:s10+s3] =	stream.linear.scatter [tilespmem:s8], [sflag:$0x5], $0x800, $0x38;
	[tilespmem:$0x1B280] =	vst v63  }
0x27e: {  	s23 =	sadd.s32 $0x800, s13;
	s25 =	simm.s32 $0x11280  }
0x27f: {  	[hbm4b:s23+s3] =	stream.linear.scatter [tilespmem:s25], [sflag:$0x5], $0x800, $0x38;
	[tilespmem:$0x1B280] =	vst v63  }
0x280: {  	s8 =	simm.s32 $0x9A80  }
0x281: {  	[hbm4b:s14+s3] =	stream.linear.scatter [tilespmem:s8], [sflag:$0x5], $0x800, $0x38;
	[tilespmem:$0x1B280] =	vst v63  }
0x282: {  	s10 =	sadd.s32 $0x100, s14;
	s25 =	simm.s32 $0xAA80  }
0x283: {  	[hbm4b:s10+s3] =	stream.linear.scatter [tilespmem:s25], [sflag:$0x5], $0x800, $0x38;
	[tilespmem:$0x1B280] =	vst v63  }
0x284: {  	s6 =	sadd.s32 $0x200, s14;
	s8 =	simm.s32 $0xBA80  }
0x285: {  	[hbm4b:s6+s3] =	stream.linear.scatter [tilespmem:s8], [sflag:$0x5], $0x800, $0x38;
	[tilespmem:$0x1B280] =	vst v63  }
0x286: {  	s10 =	sadd.s32 $0x300, s14;
	s6 =	simm.s32 $0xCA80  }
0x287: {  	[hbm4b:s10+s3] =	stream.linear.scatter [tilespmem:s6], [sflag:$0x5], $0x800, $0x38;
	[tilespmem:$0x1B280] =	vst v63  }
0x288: {  	s0 =	sadd.s32 $0x400, s14;
	s10 =	simm.s32 $0xDA80  }
0x289: {  	[hbm4b:s0+s3] =	stream.linear.scatter [tilespmem:s10], [sflag:$0x5], $0x800, $0x38;
	[tilespmem:$0x1B280] =	vst v63  }
0x28a: {  	s0 =	sadd.s32 $0x500, s14;
	s10 =	simm.s32 $0xEA80  }
0x28b: {  	[hbm4b:s0+s3] =	stream.linear.scatter [tilespmem:s10], [sflag:$0x5], $0x800, $0x38;
	[tilespmem:$0x1B280] =	vst v63  }
0x28c: {  	s0 =	sadd.s32 $0x600, s14;
	s10 =	simm.s32 $0xFA80  }
0x28d: {  	[hbm4b:s0+s3] =	stream.linear.scatter [tilespmem:s10], [sflag:$0x5], $0x800, $0x38;
	[tilespmem:$0x1B280] =	vst v63  }
0x28e: {  	s0 =	sadd.s32 $0x700, s14;
	s10 =	simm.s32 $0x10A80  }
0x28f: {  	[hbm4b:s0+s3] =	stream.linear.scatter [tilespmem:s10], [sflag:$0x5], $0x800, $0x38;
	[tilespmem:$0x1B280] =	vst v63  }
0x290: {  	s10 =	sadd.s32 $0x800, s14  }
0x291: {  	[hbm4b:s10+s3] =	stream.linear.scatter [tilespmem:s28], [sflag:$0x5], $0x800, $0x38;
	[tilespmem:$0x1B280] =	vst v63  }
0x292: {  	_ =	swait.ge [sflag:s29], $0x4800  }
0x293: {  	[sflag:s29] =	ssyncset.done $0x0  }
0x294: {  	[sflag:s29] =	ssyncadd.s32 $0xFFFFB800  }
0x295: {  	_ =	swait.ge [sflag:s29], $0x4800  }
0x296: {  	[sflag:s29] =	ssyncset.done $0x0  }
0x297: {  	[sflag:s29] =	ssyncadd.s32 $0xFFFFB800  }
0x298: {  	v3 =	vld [tilespmem:$0x1B0];
	_ =	sdelay $0x4  }
0x299: {  	v54 =	vshll.u32 v3, $0x2  }
0x29a: {  	v3 =	vand.u32 $0x7, v3;
	v4 =	vand.u32 $0xFFFFFFE0, v54  }
0x29b: {  	v3 =	vor.u32 v3, v4  }
0x29c: {  	v4 =	vperm.xlane v3, v0;
	_ =	sdelay $0x1  }
0x29d: {  	v4 =	vadd.s32 v1, v4;
	_ =	sdelay $0x1  }
0x29e: {  	v3 =	vperm.xlane v3, v2;
	_ =	sdelay $0x1  }
0x29f: {  	s28 =	simm.s32 $0x280;
	v3 =	vadd.s32 v1, v3  }
0x2a0: {  	[tilespmem:s28], [sflag:$0x1] =	stream.indirect_vreg.gather [hbm4b:s1+s3], $0x80, v4, vm0, $0xb8;
	[tilespmem:$0x1B280] =	vst v63  }
0x2a1: {  	s10 =	simm.s32 $0xA80  }
0x2a2: {  	[tilespmem:s10], [sflag:$0x1] =	stream.indirect_vreg.gather [hbm4b:s4+s3], $0x80, v4, vm0, $0xb8;
	[tilespmem:$0x1B280] =	vst v63  }
0x2a3: {  	s28 =	simm.s32 $0x1280  }
0x2a4: {  	[tilespmem:s28], [sflag:$0x1] =	stream.indirect_vreg.gather [hbm4b:s1+s3], $0x80, v3, vm0, $0xb8;
	[tilespmem:$0x1B280] =	vst v63  }
0x2a5: {  	s10 =	simm.s32 $0x1A80  }
0x2a6: {  	[tilespmem:s10], [sflag:$0x1] =	stream.indirect_vreg.gather [hbm4b:s4+s3], $0x80, v3, vm0, $0xb8;
	[tilespmem:$0x1B280] =	vst v63  }
0x2a7: {  	v3 =	vld [tilespmem:$0x1C0];
	_ =	sdelay $0x4  }
0x2a8: {  	v55 =	vshll.u32 v3, $0x2  }
0x2a9: {  	v3 =	vand.u32 $0x7, v3;
	v4 =	vand.u32 $0xFFFFFFE0, v55  }
0x2aa: {  	v3 =	vor.u32 v3, v4  }
0x2ab: {  	v4 =	vperm.xlane v3, v0;
	_ =	sdelay $0x1  }
0x2ac: {  	v4 =	vadd.s32 v1, v4;
	_ =	sdelay $0x1  }
0x2ad: {  	v3 =	vperm.xlane v3, v2;
	_ =	sdelay $0x1  }
0x2ae: {  	s28 =	simm.s32 $0x2280;
	v3 =	vadd.s32 v1, v3  }
0x2af: {  	[tilespmem:s28], [sflag:$0x1] =	stream.indirect_vreg.gather [hbm4b:s1+s3], $0x80, v4, vm0, $0xb8;
	[tilespmem:$0x1B280] =	vst v63  }
0x2b0: {  	s10 =	simm.s32 $0x2A80  }
0x2b1: {  	[tilespmem:s10], [sflag:$0x1] =	stream.indirect_vreg.gather [hbm4b:s4+s3], $0x80, v4, vm0, $0xb8;
	[tilespmem:$0x1B280] =	vst v63  }
0x2b2: {  	s28 =	simm.s32 $0x3280  }
0x2b3: {  	[tilespmem:s28], [sflag:$0x1] =	stream.indirect_vreg.gather [hbm4b:s1+s3], $0x80, v3, vm0, $0xb8;
	[tilespmem:$0x1B280] =	vst v63  }
0x2b4: {  	s10 =	simm.s32 $0x3A80  }
0x2b5: {  	[tilespmem:s10], [sflag:$0x1] =	stream.indirect_vreg.gather [hbm4b:s4+s3], $0x80, v3, vm0, $0xb8;
	[tilespmem:$0x1B280] =	vst v63  }
0x2b6: {  	v3 =	vld [tilespmem:$0x1D0];
	_ =	sdelay $0x4  }
0x2b7: {  	v56 =	vshll.u32 v3, $0x2  }
0x2b8: {  	v3 =	vand.u32 $0x7, v3;
	v4 =	vand.u32 $0xFFFFFFE0, v56  }
0x2b9: {  	v3 =	vor.u32 v3, v4  }
0x2ba: {  	v4 =	vperm.xlane v3, v0;
	_ =	sdelay $0x1  }
0x2bb: {  	v4 =	vadd.s32 v1, v4;
	_ =	sdelay $0x1  }
0x2bc: {  	v3 =	vperm.xlane v3, v2;
	_ =	sdelay $0x1  }
0x2bd: {  	s28 =	simm.s32 $0x4280;
	v3 =	vadd.s32 v1, v3  }
0x2be: {  	[tilespmem:s28], [sflag:$0x1] =	stream.indirect_vreg.gather [hbm4b:s1+s3], $0x80, v4, vm0, $0xb8;
	[tilespmem:$0x1B280] =	vst v63  }
0x2bf: {  	s10 =	simm.s32 $0x4A80  }
0x2c0: {  	[tilespmem:s10], [sflag:$0x1] =	stream.indirect_vreg.gather [hbm4b:s4+s3], $0x80, v4, vm0, $0xb8;
	[tilespmem:$0x1B280] =	vst v63  }
0x2c1: {  	s28 =	simm.s32 $0x5280  }
0x2c2: {  	[tilespmem:s28], [sflag:$0x1] =	stream.indirect_vreg.gather [hbm4b:s1+s3], $0x80, v3, vm0, $0xb8;
	[tilespmem:$0x1B280] =	vst v63  }
0x2c3: {  	s10 =	simm.s32 $0x5A80  }
0x2c4: {  	[tilespmem:s10], [sflag:$0x1] =	stream.indirect_vreg.gather [hbm4b:s4+s3], $0x80, v3, vm0, $0xb8;
	[tilespmem:$0x1B280] =	vst v63  }
0x2c5: {  	v3 =	vld [tilespmem:$0x1E0];
	_ =	sdelay $0x4  }
0x2c6: {  	v57 =	vshll.u32 v3, $0x2  }
0x2c7: {  	v3 =	vand.u32 $0x7, v3;
	v4 =	vand.u32 $0xFFFFFFE0, v57  }
0x2c8: {  	v3 =	vor.u32 v3, v4  }
0x2c9: {  	v4 =	vperm.xlane v3, v0;
	_ =	sdelay $0x1  }
0x2ca: {  	v4 =	vadd.s32 v1, v4;
	_ =	sdelay $0x1  }
0x2cb: {  	v3 =	vperm.xlane v3, v2;
	_ =	sdelay $0x1  }
0x2cc: {  	s28 =	simm.s32 $0x6280;
	v3 =	vadd.s32 v1, v3  }
0x2cd: {  	[tilespmem:s28], [sflag:$0x1] =	stream.indirect_vreg.gather [hbm4b:s1+s3], $0x80, v4, vm0, $0xb8;
	[tilespmem:$0x1B280] =	vst v63  }
0x2ce: {  	s10 =	simm.s32 $0x6A80  }
0x2cf: {  	[tilespmem:s10], [sflag:$0x1] =	stream.indirect_vreg.gather [hbm4b:s4+s3], $0x80, v4, vm0, $0xb8;
	[tilespmem:$0x1B280] =	vst v63  }
0x2d0: {  	s28 =	simm.s32 $0x7280  }
0x2d1: {  	[tilespmem:s28], [sflag:$0x1] =	stream.indirect_vreg.gather [hbm4b:s1+s3], $0x80, v3, vm0, $0xb8;
	[tilespmem:$0x1B280] =	vst v63  }
0x2d2: {  	s10 =	simm.s32 $0x7A80  }
0x2d3: {  	[tilespmem:s10], [sflag:$0x1] =	stream.indirect_vreg.gather [hbm4b:s4+s3], $0x80, v3, vm0, $0xb8;
	[tilespmem:$0x1B280] =	vst v63  }
0x2d4: {  	v3 =	vld.msk [tilespmem:$0x1F0], $0xff;
	_ =	sdelay $0x4  }
0x2d5: {  	v58 =	vshll.u32 v3, $0x2  }
0x2d6: {  	v3 =	vand.u32 $0x7, v3;
	v4 =	vand.u32 $0xFFFFFFE0, v58  }
0x2d7: {  	v3 =	vor.u32 v3, v4  }
0x2d8: {  	v3 =	vperm.xlane v3, v0;
	_ =	sdelay $0x1  }
0x2d9: {  	v3 =	vadd.s32 v1, v3;
	_ =	sdelay $0x3  }
0x2da: {  	s28 =	simm.s32 $0x8280  }
0x2db: {  	[tilespmem:s28], [sflag:$0x1] =	stream.indirect_vreg.gather [hbm4b:s1+s3], $0x80, v3, vm0, $0xb8;
	[tilespmem:$0x1B280] =	vst v63  }
0x2dc: {  	s10 =	simm.s32 $0x8A80  }
0x2dd: {  	[tilespmem:s10], [sflag:$0x1] =	stream.indirect_vreg.gather [hbm4b:s4+s3], $0x80, v3, vm0, $0xb8;
	[tilespmem:$0x1B280] =	vst v63  }
0x2de: {  	_ =	swait.ge [sflag:s22], $0x9000  }
0x2df: {  	[sflag:s22] =	ssyncset.done $0x0  }
0x2e0: {  	[sflag:s22] =	ssyncadd.s32 $0xFFFF7000;
	s22 =	simm.s32 $0x12280  }
0x2e1: {  	[hbm4b:s15+s3] =	stream.linear.scatter [tilespmem:s22], [sflag:$0x6], $0x800, $0x38;
	[tilespmem:$0x1B280] =	vst v63  }
0x2e2: {  	s28 =	sadd.s32 $0x100, s15;
	s10 =	simm.s32 $0x13280  }
0x2e3: {  	[hbm4b:s28+s3] =	stream.linear.scatter [tilespmem:s10], [sflag:$0x6], $0x800, $0x38;
	[tilespmem:$0x1B280] =	vst v63  }
0x2e4: {  	s28 =	sadd.s32 $0x200, s15  }
0x2e5: {  	[hbm4b:s28+s3] =	stream.linear.scatter [tilespmem:s30], [sflag:$0x6], $0x800, $0x38;
	[tilespmem:$0x1B280] =	vst v63  }
0x2e6: {  	s30 =	sadd.s32 $0x300, s15  }
0x2e7: {  	[hbm4b:s30+s3] =	stream.linear.scatter [tilespmem:s26], [sflag:$0x6], $0x800, $0x38;
	[tilespmem:$0x1B280] =	vst v63  }
0x2e8: {  	s10 =	sadd.s32 $0x400, s15  }
0x2e9: {  	[hbm4b:s10+s3] =	stream.linear.scatter [tilespmem:s21], [sflag:$0x6], $0x800, $0x38;
	[tilespmem:$0x1B280] =	vst v63  }
0x2ea: {  	s21 =	sadd.s32 $0x500, s15  }
0x2eb: {  	[hbm4b:s21+s3] =	stream.linear.scatter [tilespmem:s7], [sflag:$0x6], $0x800, $0x38;
	[tilespmem:$0x1B280] =	vst v63  }
0x2ec: {  	s22 =	sadd.s32 $0x600, s15  }
0x2ed: {  	[hbm4b:s22+s3] =	stream.linear.scatter [tilespmem:s2], [sflag:$0x6], $0x800, $0x38;
	[tilespmem:$0x1B280] =	vst v63  }
0x2ee: {  	s26 =	sadd.s32 $0x700, s15  }
0x2ef: {  	[hbm4b:s26+s3] =	stream.linear.scatter [tilespmem:s9], [sflag:$0x6], $0x800, $0x38;
	[tilespmem:$0x1B280] =	vst v63  }
0x2f0: {  	s28 =	sadd.s32 $0x800, s15  }
0x2f1: {  	[hbm4b:s28+s3] =	stream.linear.scatter [tilespmem:s5], [sflag:$0x6], $0x800, $0x38;
	[tilespmem:$0x1B280] =	vst v63  }
0x2f2: {  	s30 =	simm.s32 $0x12A80  }
0x2f3: {  	[hbm4b:s16+s3] =	stream.linear.scatter [tilespmem:s30], [sflag:$0x6], $0x800, $0x38;
	[tilespmem:$0x1B280] =	vst v63  }
0x2f4: {  	s2 =	sadd.s32 $0x100, s16;
	s5 =	simm.s32 $0x13A80  }
0x2f5: {  	[hbm4b:s2+s3] =	stream.linear.scatter [tilespmem:s5], [sflag:$0x6], $0x800, $0x38;
	[tilespmem:$0x1B280] =	vst v63  }
0x2f6: {  	s11 =	simm.s32 $0x14A80;
	s7 =	sadd.s32 $0x200, s16  }
0x2f7: {  	[hbm4b:s7+s3] =	stream.linear.scatter [tilespmem:s11], [sflag:$0x6], $0x800, $0x38;
	[tilespmem:$0x1B280] =	vst v63  }
0x2f8: {  	s10 =	simm.s32 $0x15A80;
	s9 =	sadd.s32 $0x300, s16  }
0x2f9: {  	[hbm4b:s9+s3] =	stream.linear.scatter [tilespmem:s10], [sflag:$0x6], $0x800, $0x38;
	[tilespmem:$0x1B280] =	vst v63  }
0x2fa: {  	s21 =	simm.s32 $0x16A80;
	s11 =	sadd.s32 $0x400, s16  }
0x2fb: {  	[hbm4b:s11+s3] =	stream.linear.scatter [tilespmem:s21], [sflag:$0x6], $0x800, $0x38;
	[tilespmem:$0x1B280] =	vst v63  }
0x2fc: {  	s22 =	sadd.s32 $0x500, s16;
	s26 =	simm.s32 $0x17A80  }
0x2fd: {  	[hbm4b:s22+s3] =	stream.linear.scatter [tilespmem:s26], [sflag:$0x6], $0x800, $0x38;
	[tilespmem:$0x1B280] =	vst v63  }
0x2fe: {  	s28 =	sadd.s32 $0x600, s16;
	s30 =	simm.s32 $0x18A80  }
0x2ff: {  	[hbm4b:s28+s3] =	stream.linear.scatter [tilespmem:s30], [sflag:$0x6], $0x800, $0x38;
	[tilespmem:$0x1B280] =	vst v63  }
0x300: {  	s5 =	sadd.s32 $0x700, s16;
	s7 =	simm.s32 $0x19A80  }
0x301: {  	[hbm4b:s5+s3] =	stream.linear.scatter [tilespmem:s7], [sflag:$0x6], $0x800, $0x38;
	[tilespmem:$0x1B280] =	vst v63  }
0x302: {  	s9 =	sadd.s32 $0x800, s16;
	s10 =	simm.s32 $0x1AA80  }
0x303: {  	[hbm4b:s9+s3] =	stream.linear.scatter [tilespmem:s10], [sflag:$0x6], $0x800, $0x38;
	[tilespmem:$0x1B280] =	vst v63  }
0x304: {  	_ =	swait.ge [sflag:s31], $0x4800  }
0x305: {  	[sflag:s31] =	ssyncset.done $0x0  }
0x306: {  	[sflag:s31] =	ssyncadd.s32 $0xFFFFB800  }
0x307: {  	_ =	swait.ge [sflag:s31], $0x4800  }
0x308: {  	[sflag:s31] =	ssyncset.done $0x0  }
0x309: {  	[sflag:s31] =	ssyncadd.s32 $0xFFFFB800  }
0x30a: {  	v3 =	vld [tilespmem:$0x1F8];
	_ =	sdelay $0x4  }
0x30b: {  	v59 =	vshll.u32 v3, $0x2  }
0x30c: {  	v3 =	vand.u32 $0x7, v3;
	v4 =	vand.u32 $0xFFFFFFE0, v59  }
0x30d: {  	v3 =	vor.u32 v3, v4  }
0x30e: {  	v4 =	vperm.xlane v3, v0;
	_ =	sdelay $0x1  }
0x30f: {  	v4 =	vadd.s32 v1, v4;
	_ =	sdelay $0x1  }
0x310: {  	v3 =	vperm.xlane v3, v2;
	_ =	sdelay $0x1  }
0x311: {  	s9 =	simm.s32 $0x9280;
	v3 =	vadd.s32 v1, v3  }
0x312: {  	[tilespmem:s9], [sflag:$0x2] =	stream.indirect_vreg.gather [hbm4b:s1+s3], $0x80, v4, vm0, $0xb8;
	[tilespmem:$0x1B280] =	vst v63  }
0x313: {  	s23 =	simm.s32 $0x9A80  }
0x314: {  	[tilespmem:s23], [sflag:$0x2] =	stream.indirect_vreg.gather [hbm4b:s4+s3], $0x80, v4, vm0, $0xb8;
	[tilespmem:$0x1B280] =	vst v63  }
0x315: {  	s10 =	simm.s32 $0xA280  }
0x316: {  	[tilespmem:s10], [sflag:$0x2] =	stream.indirect_vreg.gather [hbm4b:s1+s3], $0x80, v3, vm0, $0xb8;
	[tilespmem:$0x1B280] =	vst v63  }
0x317: {  	s25 =	simm.s32 $0xAA80  }
0x318: {  	[tilespmem:s25], [sflag:$0x2] =	stream.indirect_vreg.gather [hbm4b:s4+s3], $0x80, v3, vm0, $0xb8;
	[tilespmem:$0x1B280] =	vst v63  }
0x319: {  	v3 =	vld [tilespmem:$0x208];
	_ =	sdelay $0x4  }
0x31a: {  	v60 =	vshll.u32 v3, $0x2  }
0x31b: {  	v3 =	vand.u32 $0x7, v3;
	v4 =	vand.u32 $0xFFFFFFE0, v60  }
0x31c: {  	v3 =	vor.u32 v3, v4  }
0x31d: {  	v4 =	vperm.xlane v3, v0;
	_ =	sdelay $0x1  }
0x31e: {  	v4 =	vadd.s32 v1, v4;
	_ =	sdelay $0x1  }
0x31f: {  	v3 =	vperm.xlane v3, v2;
	_ =	sdelay $0x1  }
0x320: {  	s21 =	simm.s32 $0xB280;
	v3 =	vadd.s32 v1, v3  }
0x321: {  	[tilespmem:s21], [sflag:$0x2] =	stream.indirect_vreg.gather [hbm4b:s1+s3], $0x80, v4, vm0, $0xb8;
	[tilespmem:$0x1B280] =	vst v63  }
0x322: {  	_ = 	snop  }
0x323: {  	[tilespmem:s8], [sflag:$0x2] =	stream.indirect_vreg.gather [hbm4b:s4+s3], $0x80, v4, vm0, $0xb8;
	[tilespmem:$0x1B280] =	vst v63  }
0x324: {  	s22 =	simm.s32 $0xC280  }
0x325: {  	[tilespmem:s22], [sflag:$0x2] =	stream.indirect_vreg.gather [hbm4b:s1+s3], $0x80, v3, vm0, $0xb8;
	[tilespmem:$0x1B280] =	vst v63  }
0x326: {  	_ = 	snop  }
0x327: {  	[tilespmem:s6], [sflag:$0x2] =	stream.indirect_vreg.gather [hbm4b:s4+s3], $0x80, v3, vm0, $0xb8;
	[tilespmem:$0x1B280] =	vst v63  }
0x328: {  	v3 =	vld [tilespmem:$0x218];
	_ =	sdelay $0x4  }
0x329: {  	v61 =	vshll.u32 v3, $0x2  }
0x32a: {  	v3 =	vand.u32 $0x7, v3;
	v4 =	vand.u32 $0xFFFFFFE0, v61  }
0x32b: {  	v3 =	vor.u32 v3, v4  }
0x32c: {  	v4 =	vperm.xlane v3, v0;
	_ =	sdelay $0x1  }
0x32d: {  	v4 =	vadd.s32 v1, v4;
	_ =	sdelay $0x1  }
0x32e: {  	v3 =	vperm.xlane v3, v2;
	_ =	sdelay $0x1  }
0x32f: {  	s30 =	simm.s32 $0xD280;
	v3 =	vadd.s32 v1, v3  }
0x330: {  	[tilespmem:s30], [sflag:$0x2] =	stream.indirect_vreg.gather [hbm4b:s1+s3], $0x80, v4, vm0, $0xb8;
	[tilespmem:$0x1B280] =	vst v63  }
0x331: {  	s6 =	simm.s32 $0xDA80  }
0x332: {  	[tilespmem:s6], [sflag:$0x2] =	stream.indirect_vreg.gather [hbm4b:s4+s3], $0x80, v4, vm0, $0xb8;
	[tilespmem:$0x1B280] =	vst v63  }
0x333: {  	s2 =	simm.s32 $0xE280  }
0x334: {  	[tilespmem:s2], [sflag:$0x2] =	stream.indirect_vreg.gather [hbm4b:s1+s3], $0x80, v3, vm0, $0xb8;
	[tilespmem:$0x1B280] =	vst v63  }
0x335: {  	s8 =	simm.s32 $0xEA80  }
0x336: {  	[tilespmem:s8], [sflag:$0x2] =	stream.indirect_vreg.gather [hbm4b:s4+s3], $0x80, v3, vm0, $0xb8;
	[tilespmem:$0x1B280] =	vst v63  }
0x337: {  	v3 =	vld [tilespmem:$0x228];
	_ =	sdelay $0x4  }
0x338: {  	v62 =	vshll.u32 v3, $0x2  }
0x339: {  	v3 =	vand.u32 $0x7, v3;
	v4 =	vand.u32 $0xFFFFFFE0, v62  }
0x33a: {  	v3 =	vor.u32 v3, v4  }
0x33b: {  	v4 =	vperm.xlane v3, v0;
	_ =	sdelay $0x1  }
0x33c: {  	v4 =	vadd.s32 v1, v4;
	_ =	sdelay $0x1  }
0x33d: {  	v3 =	vperm.xlane v3, v2;
	_ =	sdelay $0x1  }
0x33e: {  	s7 =	simm.s32 $0xF280;
	v3 =	vadd.s32 v1, v3  }
0x33f: {  	[tilespmem:s7], [sflag:$0x2] =	stream.indirect_vreg.gather [hbm4b:s1+s3], $0x80, v4, vm0, $0xb8;
	[tilespmem:$0x1B280] =	vst v63  }
0x340: {  	s23 =	simm.s32 $0xFA80  }
0x341: {  	[tilespmem:s23], [sflag:$0x2] =	stream.indirect_vreg.gather [hbm4b:s4+s3], $0x80, v4, vm0, $0xb8;
	[tilespmem:$0x1B280] =	vst v63  }
0x342: {  	s28 =	simm.s32 $0x10280  }
0x343: {  	[tilespmem:s28], [sflag:$0x2] =	stream.indirect_vreg.gather [hbm4b:s1+s3], $0x80, v3, vm0, $0xb8;
	[tilespmem:$0x1B280] =	vst v63  }
0x344: {  	s26 =	simm.s32 $0x10A80  }
0x345: {  	[tilespmem:s26], [sflag:$0x2] =	stream.indirect_vreg.gather [hbm4b:s4+s3], $0x80, v3, vm0, $0xb8;
	[tilespmem:$0x1B280] =	vst v63  }
0x346: {  	v3 =	vld.msk [tilespmem:$0x238], $0xff;
	_ =	sdelay $0x4  }
0x347: {  	v63 =	vshll.u32 v3, $0x2  }
0x348: {  	v3 =	vand.u32 $0x7, v3;
	v4 =	vand.u32 $0xFFFFFFE0, v63  }
0x349: {  	v3 =	vor.u32 v3, v4  }
0x34a: {  	v3 =	vperm.xlane v3, v0;
	_ =	sdelay $0x1  }
0x34b: {  	v3 =	vadd.s32 v1, v3;
	_ =	sdelay $0x3  }
0x34c: {  	s25 =	simm.s32 $0x11280  }
0x34d: {  	[tilespmem:s25], [sflag:$0x2] =	stream.indirect_vreg.gather [hbm4b:s1+s3], $0x80, v3, vm0, $0xb8;
	[tilespmem:$0x1B280] =	vst v63  }
0x34e: {  	s11 =	simm.s32 $0x1;
	s5 =	simm.s32 $0x11A80  }
0x34f: {  	[tilespmem:s5], [sflag:$0x2] =	stream.indirect_vreg.gather [hbm4b:s4+s3], $0x80, v3, vm0, $0xb8;
	[tilespmem:$0x1B280] =	vst v63  }
0x350: {  	_ =	swait.ge [sflag:s11], $0x9000  }
0x351: {  	[sflag:s11] =	ssyncset.done $0x0  }
0x352: {  	[sflag:s11] =	ssyncadd.s32 $0xFFFF7000;
	s11 =	simm.s32 $0x280  }
0x353: {  	[hbm4b:s17+s3] =	stream.linear.scatter [tilespmem:s11], [sflag:$0x4], $0x800, $0x38;
	[tilespmem:$0x1B280] =	vst v63  }
0x354: {  	s0 =	sadd.s32 $0x100, s17;
	s11 =	simm.s32 $0x1280  }
0x355: {  	[hbm4b:s0+s3] =	stream.linear.scatter [tilespmem:s11], [sflag:$0x4], $0x800, $0x38;
	[tilespmem:$0x1B280] =	vst v63  }
0x356: {  	s0 =	sadd.s32 $0x200, s17;
	s11 =	simm.s32 $0x2280  }
0x357: {  	[hbm4b:s0+s3] =	stream.linear.scatter [tilespmem:s11], [sflag:$0x4], $0x800, $0x38;
	[tilespmem:$0x1B280] =	vst v63  }
0x358: {  	s0 =	sadd.s32 $0x300, s17;
	s11 =	simm.s32 $0x3280  }
0x359: {  	[hbm4b:s0+s3] =	stream.linear.scatter [tilespmem:s11], [sflag:$0x4], $0x800, $0x38;
	[tilespmem:$0x1B280] =	vst v63  }
0x35a: {  	s0 =	sadd.s32 $0x400, s17;
	s11 =	simm.s32 $0x4280  }
0x35b: {  	[hbm4b:s0+s3] =	stream.linear.scatter [tilespmem:s11], [sflag:$0x4], $0x800, $0x38;
	[tilespmem:$0x1B280] =	vst v63  }
0x35c: {  	s0 =	sadd.s32 $0x500, s17;
	s11 =	simm.s32 $0x5280  }
0x35d: {  	[hbm4b:s0+s3] =	stream.linear.scatter [tilespmem:s11], [sflag:$0x4], $0x800, $0x38;
	[tilespmem:$0x1B280] =	vst v63  }
0x35e: {  	s0 =	sadd.s32 $0x600, s17;
	s11 =	simm.s32 $0x6280  }
0x35f: {  	[hbm4b:s0+s3] =	stream.linear.scatter [tilespmem:s11], [sflag:$0x4], $0x800, $0x38;
	[tilespmem:$0x1B280] =	vst v63  }
0x360: {  	s0 =	sadd.s32 $0x700, s17;
	s11 =	simm.s32 $0x7280  }
0x361: {  	[hbm4b:s0+s3] =	stream.linear.scatter [tilespmem:s11], [sflag:$0x4], $0x800, $0x38;
	[tilespmem:$0x1B280] =	vst v63  }
0x362: {  	s0 =	sadd.s32 $0x800, s17;
	s11 =	simm.s32 $0x8280  }
0x363: {  	[hbm4b:s0+s3] =	stream.linear.scatter [tilespmem:s11], [sflag:$0x4], $0x800, $0x38;
	[tilespmem:$0x1B280] =	vst v63  }
0x364: {  	s11 =	simm.s32 $0xA80  }
0x365: {  	[hbm4b:s18+s3] =	stream.linear.scatter [tilespmem:s11], [sflag:$0x4], $0x800, $0x38;
	[tilespmem:$0x1B280] =	vst v63  }
0x366: {  	s0 =	sadd.s32 $0x100, s18;
	s11 =	simm.s32 $0x1A80  }
0x367: {  	[hbm4b:s0+s3] =	stream.linear.scatter [tilespmem:s11], [sflag:$0x4], $0x800, $0x38;
	[tilespmem:$0x1B280] =	vst v63  }
0x368: {  	s0 =	sadd.s32 $0x200, s18;
	s11 =	simm.s32 $0x2A80  }
0x369: {  	[hbm4b:s0+s3] =	stream.linear.scatter [tilespmem:s11], [sflag:$0x4], $0x800, $0x38;
	[tilespmem:$0x1B280] =	vst v63  }
0x36a: {  	s0 =	sadd.s32 $0x300, s18;
	s11 =	simm.s32 $0x3A80  }
0x36b: {  	[hbm4b:s0+s3] =	stream.linear.scatter [tilespmem:s11], [sflag:$0x4], $0x800, $0x38;
	[tilespmem:$0x1B280] =	vst v63  }
0x36c: {  	s0 =	sadd.s32 $0x400, s18;
	s11 =	simm.s32 $0x4A80  }
0x36d: {  	[hbm4b:s0+s3] =	stream.linear.scatter [tilespmem:s11], [sflag:$0x4], $0x800, $0x38;
	[tilespmem:$0x1B280] =	vst v63  }
0x36e: {  	s0 =	sadd.s32 $0x500, s18;
	s11 =	simm.s32 $0x5A80  }
0x36f: {  	[hbm4b:s0+s3] =	stream.linear.scatter [tilespmem:s11], [sflag:$0x4], $0x800, $0x38;
	[tilespmem:$0x1B280] =	vst v63  }
0x370: {  	s0 =	sadd.s32 $0x600, s18;
	s11 =	simm.s32 $0x6A80  }
0x371: {  	[hbm4b:s0+s3] =	stream.linear.scatter [tilespmem:s11], [sflag:$0x4], $0x800, $0x38;
	[tilespmem:$0x1B280] =	vst v63  }
0x372: {  	s0 =	sadd.s32 $0x700, s18;
	s11 =	simm.s32 $0x7A80  }
0x373: {  	[hbm4b:s0+s3] =	stream.linear.scatter [tilespmem:s11], [sflag:$0x4], $0x800, $0x38;
	[tilespmem:$0x1B280] =	vst v63  }
0x374: {  	s0 =	sadd.s32 $0x800, s18;
	s11 =	simm.s32 $0x8A80  }
0x375: {  	[hbm4b:s0+s3] =	stream.linear.scatter [tilespmem:s11], [sflag:$0x4], $0x800, $0x38;
	[tilespmem:$0x1B280] =	vst v63  }
0x376: {  	s11 =	simm.s32 $0x2  }
0x377: {  	_ =	swait.ge [sflag:s11], $0x9000  }
0x378: {  	[sflag:s11] =	ssyncset.done $0x0  }
0x379: {  	[sflag:s11] =	ssyncadd.s32 $0xFFFF7000  }
0x37a: {  	[hbm4b:s19+s3] =	stream.linear.scatter [tilespmem:s9], [sflag:$0x5], $0x800, $0x38;
	[tilespmem:$0x1B280] =	vst v63  }
0x37b: {  	s9 =	sadd.s32 $0x100, s19  }
0x37c: {  	[hbm4b:s9+s3] =	stream.linear.scatter [tilespmem:s10], [sflag:$0x5], $0x800, $0x38;
	[tilespmem:$0x1B280] =	vst v63  }
0x37d: {  	s11 =	sadd.s32 $0x200, s19  }
0x37e: {  	[hbm4b:s11+s3] =	stream.linear.scatter [tilespmem:s21], [sflag:$0x5], $0x800, $0x38;
	[tilespmem:$0x1B280] =	vst v63  }
0x37f: {  	s21 =	sadd.s32 $0x300, s19  }
0x380: {  	[hbm4b:s21+s3] =	stream.linear.scatter [tilespmem:s22], [sflag:$0x5], $0x800, $0x38;
	[tilespmem:$0x1B280] =	vst v63  }
0x381: {  	s9 =	sadd.s32 $0x400, s19  }
0x382: {  	[hbm4b:s9+s3] =	stream.linear.scatter [tilespmem:s30], [sflag:$0x5], $0x800, $0x38;
	[tilespmem:$0x1B280] =	vst v63  }
0x383: {  	s10 =	sadd.s32 $0x500, s19  }
0x384: {  	[hbm4b:s10+s3] =	stream.linear.scatter [tilespmem:s2], [sflag:$0x5], $0x800, $0x38;
	[tilespmem:$0x1B280] =	vst v63  }
0x385: {  	s11 =	sadd.s32 $0x600, s19  }
0x386: {  	[hbm4b:s11+s3] =	stream.linear.scatter [tilespmem:s7], [sflag:$0x5], $0x800, $0x38;
	[tilespmem:$0x1B280] =	vst v63  }
0x387: {  	s21 =	sadd.s32 $0x700, s19  }
0x388: {  	[hbm4b:s21+s3] =	stream.linear.scatter [tilespmem:s28], [sflag:$0x5], $0x800, $0x38;
	[tilespmem:$0x1B280] =	vst v63  }
0x389: {  	s22 =	sadd.s32 $0x800, s19  }
0x38a: {  	[hbm4b:s22+s3] =	stream.linear.scatter [tilespmem:s25], [sflag:$0x5], $0x800, $0x38;
	[tilespmem:$0x1B280] =	vst v63  }
0x38b: {  	s25 =	simm.s32 $0x9A80  }
0x38c: {  	[hbm4b:s20+s3] =	stream.linear.scatter [tilespmem:s25], [sflag:$0x5], $0x800, $0x38;
	[tilespmem:$0x1B280] =	vst v63  }
0x38d: {  	s30 =	simm.s32 $0xAA80;
	s28 =	sadd.s32 $0x100, s20  }
0x38e: {  	[hbm4b:s28+s3] =	stream.linear.scatter [tilespmem:s30], [sflag:$0x5], $0x800, $0x38;
	[tilespmem:$0x1B280] =	vst v63  }
0x38f: {  	s2 =	sadd.s32 $0x200, s20;
	s7 =	simm.s32 $0xBA80  }
0x390: {  	[hbm4b:s2+s3] =	stream.linear.scatter [tilespmem:s7], [sflag:$0x5], $0x800, $0x38;
	[tilespmem:$0x1B280] =	vst v63  }
0x391: {  	s9 =	sadd.s32 $0x300, s20;
	s10 =	simm.s32 $0xCA80  }
0x392: {  	[hbm4b:s9+s3] =	stream.linear.scatter [tilespmem:s10], [sflag:$0x5], $0x800, $0x38;
	[tilespmem:$0x1B280] =	vst v63  }
0x393: {  	s11 =	sadd.s32 $0x400, s20  }
0x394: {  	[hbm4b:s11+s3] =	stream.linear.scatter [tilespmem:s6], [sflag:$0x5], $0x800, $0x38;
	[tilespmem:$0x1B280] =	vst v63  }
0x395: {  	s21 =	sadd.s32 $0x500, s20  }
0x396: {  	[hbm4b:s21+s3] =	stream.linear.scatter [tilespmem:s8], [sflag:$0x5], $0x800, $0x38;
	[tilespmem:$0x1B280] =	vst v63  }
0x397: {  	s22 =	sadd.s32 $0x600, s20  }
0x398: {  	[hbm4b:s22+s3] =	stream.linear.scatter [tilespmem:s23], [sflag:$0x5], $0x800, $0x38;
	[tilespmem:$0x1B280] =	vst v63  }
0x399: {  	s25 =	sadd.s32 $0x700, s20  }
0x39a: {  	[hbm4b:s25+s3] =	stream.linear.scatter [tilespmem:s26], [sflag:$0x5], $0x800, $0x38;
	[tilespmem:$0x1B280] =	vst v63  }
0x39b: {  	s28 =	sadd.s32 $0x800, s20  }
0x39c: {  	[hbm4b:s28+s3] =	stream.linear.scatter [tilespmem:s5], [sflag:$0x5], $0x800, $0x38;
	[tilespmem:$0x1B280] =	vst v63  }
0x39d: {  	s30 =	rddreg [dreg:$0x5];
	_ =	swait.ge [sflag:s24], $0x4800  }
0x39e: {  	[sflag:s24] =	ssyncset.done $0x0  }
0x39f: {  	[sflag:s24] =	ssyncadd.s32 $0xFFFFB800  }
0x3a0: {  	_ =	swait.ge [sflag:s24], $0x4800  }
0x3a1: {  	[sflag:s24] =	ssyncset.done $0x0  }
0x3a2: {  	[sflag:s24] =	ssyncadd.s32 $0xFFFFB800  }
0x3a3: {  	_ =	swait.ge [sflag:s29], $0x4800  }
0x3a4: {  	[sflag:s29] =	ssyncset.done $0x0  }
0x3a5: {  	[sflag:s29] =	ssyncadd.s32 $0xFFFFB800  }
0x3a6: {  	_ =	swait.ge [sflag:s29], $0x4800  }
0x3a7: {  	[sflag:s29] =	ssyncset.done $0x0  }
0x3a8: {  	[sflag:s29] =	ssyncadd.s32 $0xFFFFB800  }
0x3a9: {  	p0 =	sne.s32 s30, $0x1;
	_ =	swait.ge [sflag:s31], $0x4800  }
.Ltmp0:
0x3aa: {  	[sflag:s31] =	ssyncset.done $0x0;
	(pc) =	sbr.rel @p0 .LBB2_1-.Ltmp0, $4  }
0x3ab: {  	[sflag:s31] =	ssyncadd.s32 $0xFFFFB800  }
0x3ac: {  	_ =	swait.ge [sflag:s31], $0x4800  }
0x3ad: {  	[sflag:s31] =	ssyncset.done $0x0  }
0x3ae: {  	s0 =	sadd.s32 $0xFFFFFFFF, s30;
	[sflag:s31] =	ssyncadd.s32 $0xFFFFB800  }
0x3af: {  	_ =	sfence.sel $0x180000  }
0x3b0: {  	[bflag:$0x0] =	sbarrier.arrive $0xFFFF  }
0x3b1: {  	_ =	strace $0x90000047  }
0x3b2: {  	s0 =	stileid.u32;
	[bflag:$0x2] =	sbarrier.arrive $0xFFFF  }
0x3b3: {  	p0 =	sne.s32 s0, $0x0;
	s0 =	rddreg [dreg:$0x3]  }
0x3b4: {  	s0 =	sadd.s32 @!p0 $0x100000, s0  }
0x3b5: {  	[sflag:s0] =	ssyncadd.tile.s32 @!p0 $0x1;
	_ =	shalt  }
.Lfunc_end2:
_tile_overlayer_lowered:
.L_overlay_start_2:
0x3b6: {  	(tag) =	ssettag $0x2  }
0x3b7: {  	s0 =	rddreg [dreg:$0x0];
	s2 =	stileid.u32  }
0x3b8: {  	s1 =	rddreg [dreg:$0x1];
	p0 =	sne.s32 s2, $0x0  }
0x3b9: {  	s3 =	rddreg [dreg:$0x2];
	[bflag:$0x3] =	sbarrier.arrive $0xFFFF;
	s2 =	simm.s32 @!p0 $0x1C07  }
0x3ba: {  	[timem:s3], [sflag:s2] =	dma.local @!p0 [hbm:s0], s1  }
0x3bb: {  	s0 =	simm.s32 @!p0 $0x7  }
0x3bc: {  	_ =	swait.ge @!p0 [sflag:s0], s1  }
0x3bd: {  	s1 =	ssub.s32 @!p0 $0x0, s1;
	[sflag:s0] =	ssyncset.done @!p0 $0x0  }
0x3be: {  	[sflag:s0] =	ssyncadd.s32 @!p0 s1  }
0x3bf: {  	[bflag:$0x3] =	sbarrier.arrive $0xFFFF  }
0x3c0: {  	_ =	shalt  }

</sc_bundles>
